<compile_context>
chip_gen: v7x
topology: tpu7x:2x2x1
jax: 0.10.2.dev20260603
libtpu: 0.0.44.dev20260713+nightly
codegen_flags: <defaults>
</compile_context>

<pallas_src>
import functools

import jax
import jax.numpy as jnp
from jax import lax
from jax.experimental import pallas as pl
from jax.experimental.pallas import tpu as pltpu
from jax.experimental.pallas import tpu_sc as plsc

_BATCH = 4096
_SEQ = 200
_HID = 64
_NW = 32
_BT = _BATCH // _NW
_NPAIR = _SEQ // 2
_LANES = 16
_NV = _HID // _LANES
_EPS = 1e-12
_UNROLL = 2


def _hsum16(v):
    total = lax.cumsum(v, axis=0)
    dnums = lax.GatherDimensionNumbers(
        offset_dims=(), collapsed_slice_dims=(0,), start_index_map=(0,))
    idx = jnp.full((_LANES,), _LANES - 1, jnp.int32)
    return lax.gather(total, idx[:, None], dnums, slice_sizes=(1,),
                      mode=lax.GatherScatterMode.PROMISE_IN_BOUNDS)


def _rsqrt16(v):
    i = lax.bitcast_convert_type(v, jnp.int32)
    i = jnp.int32(0x5F3759DF) - lax.shift_right_arithmetic(i, jnp.int32(1))
    y = lax.bitcast_convert_type(i, jnp.float32)
    half = v * 0.5
    for _ in range(2):
        y = y * (1.5 - half * y * y)
    return y


def _sc_body(ids_hbm, table_hbm, pos_hbm, gam_hbm, bet_hbm, out_hbm,
             idx_v, rows0, rows1, outt0, outt1, pos_v, gam_v, bet_v,
             gsem, ssem_e, ssem_o):
    wid = lax.axis_index("s") * 2 + lax.axis_index("c")

    pltpu.sync_copy(pos_hbm, pos_v)
    pltpu.sync_copy(gam_hbm, gam_v)
    pltpu.sync_copy(bet_hbm, bet_v)
    pltpu.sync_copy(ids_hbm.at[:, pl.ds(wid * _BT, _BT)], idx_v)

    gv = [gam_v[pl.ds(c * _LANES, _LANES)] for c in range(_NV)]
    bv = [bet_v[pl.ds(c * _LANES, _LANES)] for c in range(_NV)]

    def issue_gather(s, buf):
        pltpu.make_async_copy(
            table_hbm.at[idx_v.at[s]], buf, gsem).start()

    def wait_gather(buf):
        pltpu.make_async_copy(
            table_hbm.at[pl.ds(0, _BT), :], buf, gsem).wait()

    def issue_store(buf, s, sem):
        pltpu.make_async_copy(buf.at[:, :, pl.ds(0, _BT)],
                              out_hbm.at[s, :, wid, :, :], sem).start()

    def wait_store(sem):
        pltpu.make_async_copy(
            table_hbm.at[pl.ds(0, _BT), :], rows0, sem).wait()

    lane_c = [lax.iota(jnp.int32, _LANES) + (c * _LANES) for c in range(_NV)]
    ct = [lax.shift_right_arithmetic(lc, jnp.int32(3)) for lc in lane_c]
    cr = [lax.bitwise_and(lc, jnp.int32(7)) for lc in lane_c]

    def compute(s, rows, outt):
        pv = [pos_v[s, pl.ds(c * _LANES, _LANES)] for c in range(_NV)]

        @plsc.parallel_loop(0, _BT, 1, unroll=_UNROLL)
        def _row(i):
            x = [rows[i, pl.ds(c * _LANES, _LANES)] + pv[c]
                 for c in range(_NV)]
            ssum = x[0] + x[1] + x[2] + x[3]
            q = x[0] * x[0] + x[1] * x[1] + x[2] * x[2] + x[3] * x[3]
            mu = _hsum16(ssum) * (1.0 / _HID)
            var = _hsum16(q) * (1.0 / _HID) - mu * mu
            rstd = _rsqrt16(var + _EPS)
            ms = mu * rstd
            bi = jnp.broadcast_to(i, (_LANES,)).astype(jnp.int32)
            for c in range(_NV):
                plsc.store_scatter(outt, [ct[c], cr[c], bi],
                                   (x[c] * rstd - ms) * gv[c] + bv[c])

    def pair(k, carry):
        a = 2 * k
        issue_gather(a + 1, rows1)
        wait_gather(rows0)

        @pl.when(k >= 1)
        def _():
            wait_store(ssem_e)

        compute(a, rows0, outt0)
        issue_store(outt0, a, ssem_e)

        @pl.when(k < _NPAIR - 1)
        def _():
            issue_gather(a + 2, rows0)

        wait_gather(rows1)

        @pl.when(k >= 1)
        def _():
            wait_store(ssem_o)

        compute(a + 1, rows1, outt1)
        issue_store(outt1, a + 1, ssem_o)
        return carry

    issue_gather(0, rows0)
    lax.fori_loop(0, _NPAIR, pair, 0)
    wait_store(ssem_e)
    wait_store(ssem_o)


_mesh = plsc.VectorSubcoreMesh(core_axis_name="c", subcore_axis_name="s")

_sc_kernel = functools.partial(
    pl.kernel,
    out_type=jax.ShapeDtypeStruct(
        (_SEQ, _HID // 8, _NW, 8, _BT), jnp.float32),
    mesh=_mesh,
    compiler_params=pltpu.CompilerParams(
        use_tc_tiling_on_sc=False, needs_layout_passes=False),
    scratch_types=[
        pltpu.VMEM((_SEQ, _BT), jnp.int32),
        pltpu.VMEM((_BT, _HID), jnp.float32),
        pltpu.VMEM((_BT, _HID), jnp.float32),
        pltpu.VMEM((_HID // 8, 8, _BT + 1), jnp.float32),
        pltpu.VMEM((_HID // 8, 8, _BT + 1), jnp.float32),
        pltpu.VMEM((_SEQ, _HID), jnp.float32),
        pltpu.VMEM((_HID,), jnp.float32),
        pltpu.VMEM((_HID,), jnp.float32),
        pltpu.SemaphoreType.DMA,
        pltpu.SemaphoreType.DMA,
        pltpu.SemaphoreType.DMA,
    ],
)(_sc_body)


@jax.jit
def kernel(input_ids, item_table, pos_table, ln_gamma, ln_beta):
    ids_t = input_ids.T.astype(jnp.int32)
    out5 = _sc_kernel(ids_t, item_table, pos_table, ln_gamma, ln_beta)
    return out5.transpose(2, 4, 0, 1, 3).reshape(_BATCH, _SEQ, _HID)

# --- scband reference (transcript-rebuilt; emitter-appended) ---
"""Pipeline reference for scband-sequential-rec-model-12034498363465 (READ-ONLY COPY).

The authoritative reference and input builder live on the scoring server;
editing this copy changes nothing except your own understanding.
"""

import jax, jax.numpy as jnp
import numpy as np

ITEM_SIZE = 1000000
HIDDEN = 64
MAX_SEQ = 200
BATCH = 4096


def setup_inputs(seed: int = 0) -> dict:
    key = jax.random.key(seed)
    k1, k2, k3 = jax.random.split(key, 3)
    input_ids = jax.random.randint(k1, (BATCH, MAX_SEQ), 0, ITEM_SIZE, dtype=jnp.int64 if jax.config.read('jax_enable_x64') else jnp.int32)
    item_table = jax.random.normal(k2, (ITEM_SIZE, HIDDEN), dtype=jnp.float32) * 0.02
    item_table = item_table.at[0].set(0.0)  # padding_idx=0
    pos_table = jax.random.normal(k3, (MAX_SEQ, HIDDEN), dtype=jnp.float32) * 0.02
    ln_gamma = jnp.ones((HIDDEN,), dtype=jnp.float32)
    ln_beta = jnp.zeros((HIDDEN,), dtype=jnp.float32)
    return {"input_ids": input_ids, "item_table": item_table, "pos_table": pos_table, "ln_gamma": ln_gamma, "ln_beta": ln_beta}


def _layer_norm(x, gamma, beta, eps=1e-12):
    mu = jnp.mean(x, axis=-1, keepdims=True)
    var = jnp.mean((x - mu) ** 2, axis=-1, keepdims=True)
    return (x - mu) / jnp.sqrt(var + eps) * gamma + beta


def reference(input_ids, item_table, pos_table, ln_gamma, ln_beta):
    # add_position_embedding: item emb gather + position emb gather, sum, LayerNorm (dropout = identity in eval)
    seq_length = input_ids.shape[1]
    position_ids = jnp.arange(seq_length, dtype=input_ids.dtype)
    position_ids = jnp.broadcast_to(position_ids[None, :], input_ids.shape)
    item_embeddings = jnp.take(item_table, input_ids, axis=0)
    position_embeddings = jnp.take(pos_table, position_ids, axis=0)
    sequence_emb = item_embeddings + position_embeddings
    sequence_emb = _layer_norm(sequence_emb, ln_gamma, ln_beta)
    return sequence_emb

if __name__ == "__main__":
    import jax
    _d = setup_inputs()
    print(jax.jit(kernel)(*tuple(_d.values())))

</pallas_src>

<mosaic_0001>
#map = affine_map<(d0, d1) -> (0, 0)>
#map1 = affine_map<(d0, d1) -> (0)>
#map2 = affine_map<(d0, d1) -> (0, 0, 0, 0, 0)>
module attributes {stable_mosaic.version = 14 : i64} {
  func.func @_sc_body(%arg0: i32, %arg1: i32, %arg2: memref<200x4096xi32, #tpu.memory_space<hbm>>, %arg3: memref<1000000x64xf32, #tpu.memory_space<hbm>>, %arg4: memref<200x64xf32, #tpu.memory_space<hbm>>, %arg5: memref<64xf32, #tpu.memory_space<hbm>>, %arg6: memref<64xf32, #tpu.memory_space<hbm>>, %arg7: memref<200x8x32x8x128xf32, #tpu.memory_space<hbm>>, %arg8: memref<200x128xi32, #tpu.memory_space<vmem>>, %arg9: memref<128x64xf32, #tpu.memory_space<vmem>>, %arg10: memref<128x64xf32, #tpu.memory_space<vmem>>, %arg11: memref<8x8x129xf32, #tpu.memory_space<vmem>>, %arg12: memref<8x8x129xf32, #tpu.memory_space<vmem>>, %arg13: memref<200x64xf32, #tpu.memory_space<vmem>>, %arg14: memref<64xf32, #tpu.memory_space<vmem>>, %arg15: memref<64xf32, #tpu.memory_space<vmem>>, %arg16: memref<!tpu.dma_semaphore, #tpu.memory_space<semaphore_mem>>, %arg17: memref<!tpu.dma_semaphore, #tpu.memory_space<semaphore_mem>>, %arg18: memref<!tpu.dma_semaphore, #tpu.memory_space<semaphore_mem>>) attributes {dimension_semantics = [#tpu.dimension_semantics<core_parallel>, #tpu.dimension_semantics<subcore_parallel>], iteration_bounds = array<i64: 2, 16>, scalar_prefetch = 0 : i64, scratch_operands = 11 : i64, tpu.core_type = #tpu.core_type<sc_vector_subcore>, window_params = [{transform_indices = #map}, {transform_indices = #map}, {transform_indices = #map}, {transform_indices = #map1}, {transform_indices = #map1}, {transform_indices = #map2}]} {
    %mul3A = arith.constant 2 : i32
    %mul3A_0 = arith.muli %arg1, %mul3A : i32
    %add3A = arith.addi %mul3A_0, %arg0 : i32
    "tpu.region"() ({
      %run_scoped3A = tpu.sem_alloc : memref<!tpu.dma_semaphore, #tpu.memory_space<semaphore_mem>>
      tpu.enqueue_dma source(%arg4 : memref<200x64xf32, #tpu.memory_space<hbm>>) target(%arg13 : memref<200x64xf32, #tpu.memory_space<vmem>>) target_semaphore(%run_scoped3A : memref<!tpu.dma_semaphore, #tpu.memory_space<semaphore_mem>>)
      tpu.wait_dma2 semaphore(%run_scoped3A : memref<!tpu.dma_semaphore, #tpu.memory_space<semaphore_mem>>) src(%arg4 : memref<200x64xf32, #tpu.memory_space<hbm>>) dst(%arg13 : memref<200x64xf32, #tpu.memory_space<vmem>>)
      tpu.yield
    }) : () -> ()
    "tpu.region"() ({
      %run_scoped3A = tpu.sem_alloc : memref<!tpu.dma_semaphore, #tpu.memory_space<semaphore_mem>>
      tpu.enqueue_dma source(%arg5 : memref<64xf32, #tpu.memory_space<hbm>>) target(%arg14 : memref<64xf32, #tpu.memory_space<vmem>>) target_semaphore(%run_scoped3A : memref<!tpu.dma_semaphore, #tpu.memory_space<semaphore_mem>>)
      tpu.wait_dma2 semaphore(%run_scoped3A : memref<!tpu.dma_semaphore, #tpu.memory_space<semaphore_mem>>) src(%arg5 : memref<64xf32, #tpu.memory_space<hbm>>) dst(%arg14 : memref<64xf32, #tpu.memory_space<vmem>>)
      tpu.yield
    }) : () -> ()
    "tpu.region"() ({
      %run_scoped3A = tpu.sem_alloc : memref<!tpu.dma_semaphore, #tpu.memory_space<semaphore_mem>>
      tpu.enqueue_dma source(%arg6 : memref<64xf32, #tpu.memory_space<hbm>>) target(%arg15 : memref<64xf32, #tpu.memory_space<vmem>>) target_semaphore(%run_scoped3A : memref<!tpu.dma_semaphore, #tpu.memory_space<semaphore_mem>>)
      tpu.wait_dma2 semaphore(%run_scoped3A : memref<!tpu.dma_semaphore, #tpu.memory_space<semaphore_mem>>) src(%arg6 : memref<64xf32, #tpu.memory_space<hbm>>) dst(%arg15 : memref<64xf32, #tpu.memory_space<vmem>>)
      tpu.yield
    }) : () -> ()
    %mul3A_1 = arith.constant 128 : i32
    %mul3A_2 = arith.muli %add3A, %mul3A_1 : i32
    "tpu.region"() ({
      %run_scoped3A = tpu.sem_alloc : memref<!tpu.dma_semaphore, #tpu.memory_space<semaphore_mem>>
      %dma_start3A_77 = arith.constant 0 : i32
      %dma_start3A_78 = tpu.memref_slice %arg2[%dma_start3A_77, %mul3A_2] : memref<200x4096xi32, #tpu.memory_space<hbm>> -> memref<200x128xi32, #tpu.memory_space<hbm>>
      %dma_start3A_79 = arith.constant 0 : i32
      %dma_start3A_80 = tpu.memref_slice %arg2[%dma_start3A_79, %mul3A_2] : memref<200x4096xi32, #tpu.memory_space<hbm>> -> memref<200x128xi32, #tpu.memory_space<hbm>>
      tpu.enqueue_dma source(%dma_start3A_80 : memref<200x128xi32, #tpu.memory_space<hbm>>) target(%arg8 : memref<200x128xi32, #tpu.memory_space<vmem>>) target_semaphore(%run_scoped3A : memref<!tpu.dma_semaphore, #tpu.memory_space<semaphore_mem>>)
      %dma_wait3A_81 = arith.constant 0 : i32
      %dma_wait3A_82 = tpu.memref_slice %arg2[%dma_wait3A_81, %mul3A_2] : memref<200x4096xi32, #tpu.memory_space<hbm>> -> memref<200x128xi32, #tpu.memory_space<hbm>>
      %dma_wait3A_83 = arith.constant 0 : i32
      %dma_wait3A_84 = tpu.memref_slice %arg2[%dma_wait3A_83, %mul3A_2] : memref<200x4096xi32, #tpu.memory_space<hbm>> -> memref<200x128xi32, #tpu.memory_space<hbm>>
      tpu.wait_dma2 semaphore(%run_scoped3A : memref<!tpu.dma_semaphore, #tpu.memory_space<semaphore_mem>>) src(%dma_wait3A_84 : memref<200x128xi32, #tpu.memory_space<hbm>>) dst(%arg8 : memref<200x128xi32, #tpu.memory_space<vmem>>)
      tpu.yield
    }) : () -> ()
    %get3A = arith.constant 0 : index
    %get3A_3 = tpu.vector_load %arg14[%get3A] {strides = array<i32>} : memref<64xf32, #tpu.memory_space<vmem>>, vector<16xf32>,
    %get3A_4 = arith.constant 16 : index
    %get3A_5 = tpu.vector_load %arg14[%get3A_4] {strides = array<i32>} : memref<64xf32, #tpu.memory_space<vmem>>, vector<16xf32>,
    %get3A_6 = arith.constant 32 : index
    %get3A_7 = tpu.vector_load %arg14[%get3A_6] {strides = array<i32>} : memref<64xf32, #tpu.memory_space<vmem>>, vector<16xf32>,
    %get3A_8 = arith.constant 48 : index
    %get3A_9 = tpu.vector_load %arg14[%get3A_8] {strides = array<i32>} : memref<64xf32, #tpu.memory_space<vmem>>, vector<16xf32>,
    %get3A_10 = arith.constant 0 : index
    %get3A_11 = tpu.vector_load %arg15[%get3A_10] {strides = array<i32>} : memref<64xf32, #tpu.memory_space<vmem>>, vector<16xf32>,
    %get3A_12 = arith.constant 16 : index
    %get3A_13 = tpu.vector_load %arg15[%get3A_12] {strides = array<i32>} : memref<64xf32, #tpu.memory_space<vmem>>, vector<16xf32>,
    %get3A_14 = arith.constant 32 : index
    %get3A_15 = tpu.vector_load %arg15[%get3A_14] {strides = array<i32>} : memref<64xf32, #tpu.memory_space<vmem>>, vector<16xf32>,
    %get3A_16 = arith.constant 48 : index
    %get3A_17 = tpu.vector_load %arg15[%get3A_16] {strides = array<i32>} : memref<64xf32, #tpu.memory_space<vmem>>, vector<16xf32>,
    %iota3A = tpu.iota {dimensions = array<i32: 0>} : vector<16xi32>
    %add3A_18 = arith.constant 0 : i32
    %add3A_19 = vector.broadcast %add3A_18 : i32 to vector<16xi32>
    %add3A_20 = arith.addi %iota3A, %add3A_19 : vector<16xi32>
    %iota3A_21 = tpu.iota {dimensions = array<i32: 0>} : vector<16xi32>
    %add3A_22 = arith.constant 16 : i32
    %add3A_23 = vector.broadcast %add3A_22 : i32 to vector<16xi32>
    %add3A_24 = arith.addi %iota3A_21, %add3A_23 : vector<16xi32>
    %iota3A_25 = tpu.iota {dimensions = array<i32: 0>} : vector<16xi32>
    %add3A_26 = arith.constant 32 : i32
    %add3A_27 = vector.broadcast %add3A_26 : i32 to vector<16xi32>
    %add3A_28 = arith.addi %iota3A_25, %add3A_27 : vector<16xi32>
    %iota3A_29 = tpu.iota {dimensions = array<i32: 0>} : vector<16xi32>
    %add3A_30 = arith.constant 48 : i32
    %add3A_31 = vector.broadcast %add3A_30 : i32 to vector<16xi32>
    %add3A_32 = arith.addi %iota3A_29, %add3A_31 : vector<16xi32>
    %shift_right_arithmetic3A = arith.constant 3 : i32
    %shift_right_arithmetic3A_33 = vector.broadcast %shift_right_arithmetic3A : i32 to vector<16xi32>
    %shift_right_arithmetic3A_34 = arith.shrsi %add3A_20, %shift_right_arithmetic3A_33 : vector<16xi32>
    %shift_right_arithmetic3A_35 = arith.constant 3 : i32
    %shift_right_arithmetic3A_36 = vector.broadcast %shift_right_arithmetic3A_35 : i32 to vector<16xi32>
    %shift_right_arithmetic3A_37 = arith.shrsi %add3A_24, %shift_right_arithmetic3A_36 : vector<16xi32>
    %shift_right_arithmetic3A_38 = arith.constant 3 : i32
    %shift_right_arithmetic3A_39 = vector.broadcast %shift_right_arithmetic3A_38 : i32 to vector<16xi32>
    %shift_right_arithmetic3A_40 = arith.shrsi %add3A_28, %shift_right_arithmetic3A_39 : vector<16xi32>
    %shift_right_arithmetic3A_41 = arith.constant 3 : i32
    %shift_right_arithmetic3A_42 = vector.broadcast %shift_right_arithmetic3A_41 : i32 to vector<16xi32>
    %shift_right_arithmetic3A_43 = arith.shrsi %add3A_32, %shift_right_arithmetic3A_42 : vector<16xi32>
    %and3A = arith.constant 7 : i32
    %and3A_44 = vector.broadcast %and3A : i32 to vector<16xi32>
    %and3A_45 = arith.andi %add3A_20, %and3A_44 : vector<16xi32>
    %and3A_46 = arith.constant 7 : i32
    %and3A_47 = vector.broadcast %and3A_46 : i32 to vector<16xi32>
    %and3A_48 = arith.andi %add3A_24, %and3A_47 : vector<16xi32>
    %and3A_49 = arith.constant 7 : i32
    %and3A_50 = vector.broadcast %and3A_49 : i32 to vector<16xi32>
    %and3A_51 = arith.andi %add3A_28, %and3A_50 : vector<16xi32>
    %and3A_52 = arith.constant 7 : i32
    %and3A_53 = vector.broadcast %and3A_52 : i32 to vector<16xi32>
    %and3A_54 = arith.andi %add3A_32, %and3A_53 : vector<16xi32>
    %dma_start3A = arith.constant 0 : i32
    %dma_start3A_55 = arith.constant 0 : i32
    %dma_start3A_56 = tpu.memref_slice %arg8[%dma_start3A, %dma_start3A_55] : memref<200x128xi32, #tpu.memory_space<vmem>> -> memref<1x128xi32, #tpu.memory_space<vmem>>
    %dma_start3A_57 = tpu.memref_squeeze %dma_start3A_56 : memref<1x128xi32, #tpu.memory_space<vmem>> -> memref<128xi32, #tpu.memory_space<vmem>>
    %dma_start3A_58 = arith.constant 0 : i32
    %dma_start3A_59 = arith.constant 0 : i32
    %dma_start3A_60 = tpu.memref_slice %arg3[%dma_start3A_58, %dma_start3A_59] : memref<1000000x64xf32, #tpu.memory_space<hbm>> -> memref<1000000x64xf32, #tpu.memory_space<hbm>>
    tpu.enqueue_indirect_dma source(%dma_start3A_60 : memref<1000000x64xf32, #tpu.memory_space<hbm>>) target(%arg9 : memref<128x64xf32, #tpu.memory_space<vmem>>) offsets(%dma_start3A_57 : memref<128xi32, #tpu.memory_space<vmem>>) semaphore(%arg16 : memref<!tpu.dma_semaphore, #tpu.memory_space<semaphore_mem>>)
    %scan3A = arith.constant 0 : i32
    %scan3A_61 = arith.constant 0 : i32
    %scan3A_62 = arith.constant 100 : i32
    %scan3A_63 = arith.addi %scan3A_61, %scan3A_62 : i32
    %scan3A_64 = arith.constant 1 : i32
    scf.for %scan3A_77 = %scan3A_61 to %scan3A_63 step %scan3A_64  : i32 {
      %mul3A_78 = arith.constant 2 : i32
      %mul3A_79 = arith.muli %mul3A_78, %scan3A_77 : i32
      %add3A_80 = arith.constant 1 : i32
      %add3A_81 = arith.addi %mul3A_79, %add3A_80 : i32
      %dma_start3A_82 = arith.constant 0 : i32
      %dma_start3A_83 = tpu.memref_slice %arg8[%add3A_81, %dma_start3A_82] : memref<200x128xi32, #tpu.memory_space<vmem>> -> memref<1x128xi32, #tpu.memory_space<vmem>>
      %dma_start3A_84 = tpu.memref_squeeze %dma_start3A_83 : memref<1x128xi32, #tpu.memory_space<vmem>> -> memref<128xi32, #tpu.memory_space<vmem>>
      %dma_start3A_85 = arith.constant 0 : i32
      %dma_start3A_86 = arith.constant 0 : i32
      %dma_start3A_87 = tpu.memref_slice %arg3[%dma_start3A_85, %dma_start3A_86] : memref<1000000x64xf32, #tpu.memory_space<hbm>> -> memref<1000000x64xf32, #tpu.memory_space<hbm>>
      tpu.enqueue_indirect_dma source(%dma_start3A_87 : memref<1000000x64xf32, #tpu.memory_space<hbm>>) target(%arg10 : memref<128x64xf32, #tpu.memory_space<vmem>>) offsets(%dma_start3A_84 : memref<128xi32, #tpu.memory_space<vmem>>) semaphore(%arg16 : memref<!tpu.dma_semaphore, #tpu.memory_space<semaphore_mem>>)
      %dma_wait3A_88 = arith.constant 0 : i32
      %dma_wait3A_89 = arith.constant 0 : i32
      %dma_wait3A_90 = tpu.memref_slice %arg3[%dma_wait3A_88, %dma_wait3A_89] : memref<1000000x64xf32, #tpu.memory_space<hbm>> -> memref<128x64xf32, #tpu.memory_space<hbm>>
      %dma_wait3A_91 = arith.constant 0 : i32
      %dma_wait3A_92 = arith.constant 0 : i32
      %dma_wait3A_93 = tpu.memref_slice %arg3[%dma_wait3A_91, %dma_wait3A_92] : memref<1000000x64xf32, #tpu.memory_space<hbm>> -> memref<128x64xf32, #tpu.memory_space<hbm>>
      tpu.wait_dma2 semaphore(%arg16 : memref<!tpu.dma_semaphore, #tpu.memory_space<semaphore_mem>>) src(%dma_wait3A_93 : memref<128x64xf32, #tpu.memory_space<hbm>>) dst(%arg9 : memref<128x64xf32, #tpu.memory_space<vmem>>)
      %ge3A = arith.constant 1 : i32
      %ge3A_94 = arith.cmpi sge, %scan3A_77, %ge3A : i32
      %convert_element_type3A = arith.extui %ge3A_94 : i1 to i32
      %cond3A = arith.constant 0 : i32
      %cond3A_95 = arith.cmpi ne, %convert_element_type3A, %cond3A : i32
      scf.if %cond3A_95 {
        %dma_wait3A_180 = arith.constant 0 : i32
        %dma_wait3A_181 = arith.constant 0 : i32
        %dma_wait3A_182 = tpu.memref_slice %arg3[%dma_wait3A_180, %dma_wait3A_181] : memref<1000000x64xf32, #tpu.memory_space<hbm>> -> memref<128x64xf32, #tpu.memory_space<hbm>>
        %dma_wait3A_183 = arith.constant 0 : i32
        %dma_wait3A_184 = arith.constant 0 : i32
        %dma_wait3A_185 = tpu.memref_slice %arg3[%dma_wait3A_183, %dma_wait3A_184] : memref<1000000x64xf32, #tpu.memory_space<hbm>> -> memref<128x64xf32, #tpu.memory_space<hbm>>
        tpu.wait_dma2 semaphore(%arg17 : memref<!tpu.dma_semaphore, #tpu.memory_space<semaphore_mem>>) src(%dma_wait3A_185 : memref<128x64xf32, #tpu.memory_space<hbm>>) dst(%arg9 : memref<128x64xf32, #tpu.memory_space<vmem>>)
      } else {
      }
      %get3A_96 = arith.index_cast %mul3A_79 : i32 to index
      %get3A_97 = arith.constant 0 : index
      %get3A_98 = tpu.vector_load %arg13[%get3A_96, %get3A_97] {strides = array<i32>} : memref<200x64xf32, #tpu.memory_space<vmem>>, vector<16xf32>,
      %get3A_99 = arith.index_cast %mul3A_79 : i32 to index
      %get3A_100 = arith.constant 16 : index
      %get3A_101 = tpu.vector_load %arg13[%get3A_99, %get3A_100] {strides = array<i32>} : memref<200x64xf32, #tpu.memory_space<vmem>>, vector<16xf32>,
      %get3A_102 = arith.index_cast %mul3A_79 : i32 to index
      %get3A_103 = arith.constant 32 : index
      %get3A_104 = tpu.vector_load %arg13[%get3A_102, %get3A_103] {strides = array<i32>} : memref<200x64xf32, #tpu.memory_space<vmem>>, vector<16xf32>,
      %get3A_105 = arith.index_cast %mul3A_79 : i32 to index
      %get3A_106 = arith.constant 48 : index
      %get3A_107 = tpu.vector_load %arg13[%get3A_105, %get3A_106] {strides = array<i32>} : memref<200x64xf32, #tpu.memory_space<vmem>>, vector<16xf32>,
      %parallel_loop3A = arith.constant 0 : i32
      %parallel_loop3A_108 = arith.constant 128 : i32
      %parallel_loop3A_109 = arith.constant 1 : i32
      scf.for %parallel_loop3A_180 = %parallel_loop3A to %parallel_loop3A_108 step %parallel_loop3A_109  : i32 {
        %parallel_loop3A_181 = arith.index_cast %parallel_loop3A_180 : i32 to index
        %parallel_loop3A_182 = arith.constant 0 : index
        %parallel_loop3A_183 = tpu.vector_load %arg9[%parallel_loop3A_181, %parallel_loop3A_182] {strides = array<i32>} : memref<128x64xf32, #tpu.memory_space<vmem>>, vector<16xf32>,
        %parallel_loop3A_184 = arith.addf %parallel_loop3A_183, %get3A_98 : vector<16xf32>
        %parallel_loop3A_185 = arith.index_cast %parallel_loop3A_180 : i32 to index
        %parallel_loop3A_186 = arith.constant 16 : index
        %parallel_loop3A_187 = tpu.vector_load %arg9[%parallel_loop3A_185, %parallel_loop3A_186] {strides = array<i32>} : memref<128x64xf32, #tpu.memory_space<vmem>>, vector<16xf32>,
        %parallel_loop3A_188 = arith.addf %parallel_loop3A_187, %get3A_101 : vector<16xf32>
        %parallel_loop3A_189 = arith.index_cast %parallel_loop3A_180 : i32 to index
        %parallel_loop3A_190 = arith.constant 32 : index
        %parallel_loop3A_191 = tpu.vector_load %arg9[%parallel_loop3A_189, %parallel_loop3A_190] {strides = array<i32>} : memref<128x64xf32, #tpu.memory_space<vmem>>, vector<16xf32>,
        %parallel_loop3A_192 = arith.addf %parallel_loop3A_191, %get3A_104 : vector<16xf32>
        %parallel_loop3A_193 = arith.index_cast %parallel_loop3A_180 : i32 to index
        %parallel_loop3A_194 = arith.constant 48 : index
        %parallel_loop3A_195 = tpu.vector_load %arg9[%parallel_loop3A_193, %parallel_loop3A_194] {strides = array<i32>} : memref<128x64xf32, #tpu.memory_space<vmem>>, vector<16xf32>,
        %parallel_loop3A_196 = arith.addf %parallel_loop3A_195, %get3A_107 : vector<16xf32>
        %parallel_loop3A_197 = arith.addf %parallel_loop3A_184, %parallel_loop3A_188 : vector<16xf32>
        %parallel_loop3A_198 = arith.addf %parallel_loop3A_197, %parallel_loop3A_192 : vector<16xf32>
        %parallel_loop3A_199 = arith.addf %parallel_loop3A_198, %parallel_loop3A_196 : vector<16xf32>
        %parallel_loop3A_200 = arith.mulf %parallel_loop3A_184, %parallel_loop3A_184 : vector<16xf32>
        %parallel_loop3A_201 = arith.mulf %parallel_loop3A_188, %parallel_loop3A_188 : vector<16xf32>
        %parallel_loop3A_202 = arith.addf %parallel_loop3A_200, %parallel_loop3A_201 : vector<16xf32>
        %parallel_loop3A_203 = arith.mulf %parallel_loop3A_192, %parallel_loop3A_192 : vector<16xf32>
        %parallel_loop3A_204 = arith.addf %parallel_loop3A_202, %parallel_loop3A_203 : vector<16xf32>
        %parallel_loop3A_205 = arith.mulf %parallel_loop3A_196, %parallel_loop3A_196 : vector<16xf32>
        %parallel_loop3A_206 = arith.addf %parallel_loop3A_204, %parallel_loop3A_205 : vector<16xf32>
        %parallel_loop3A_207 = arith.constant true
        %parallel_loop3A_208 = vector.broadcast %parallel_loop3A_207 : i1 to vector<16xi1>
        %parallel_loop3A_209 = tpu.scan <sum>, %parallel_loop3A_199 masked %parallel_loop3A_208 : vector<16xf32>, vector<16xi1> -> vector<16xf32>
        %parallel_loop3A_210 = arith.constant 15 : i32
        %parallel_loop3A_211 = vector.broadcast %parallel_loop3A_210 : i32 to vector<16xi32>
        %parallel_loop3A_212 = vector.shape_cast %parallel_loop3A_211 : vector<16xi32> to vector<16x1xi32>
        %parallel_loop3A_213 = vector.shape_cast %parallel_loop3A_212 : vector<16x1xi32> to vector<16xi32>
        %parallel_loop3A_214 = tpu.dynamic_gather %parallel_loop3A_209[%parallel_loop3A_213] in [0] : vector<16xf32>, vector<16xi32> -> vector<16xf32>
        %parallel_loop3A_215 = arith.constant 1.562500e-02 : f32
        %parallel_loop3A_216 = vector.broadcast %parallel_loop3A_215 : f32 to vector<16xf32>
        %parallel_loop3A_217 = arith.mulf %parallel_loop3A_214, %parallel_loop3A_216 : vector<16xf32>
        %parallel_loop3A_218 = arith.constant true
        %parallel_loop3A_219 = vector.broadcast %parallel_loop3A_218 : i1 to vector<16xi1>
        %parallel_loop3A_220 = tpu.scan <sum>, %parallel_loop3A_206 masked %parallel_loop3A_219 : vector<16xf32>, vector<16xi1> -> vector<16xf32>
        %parallel_loop3A_221 = arith.constant 15 : i32
        %parallel_loop3A_222 = vector.broadcast %parallel_loop3A_221 : i32 to vector<16xi32>
        %parallel_loop3A_223 = vector.shape_cast %parallel_loop3A_222 : vector<16xi32> to vector<16x1xi32>
        %parallel_loop3A_224 = vector.shape_cast %parallel_loop3A_223 : vector<16x1xi32> to vector<16xi32>
        %parallel_loop3A_225 = tpu.dynamic_gather %parallel_loop3A_220[%parallel_loop3A_224] in [0] : vector<16xf32>, vector<16xi32> -> vector<16xf32>
        %parallel_loop3A_226 = arith.constant 1.562500e-02 : f32
        %parallel_loop3A_227 = vector.broadcast %parallel_loop3A_226 : f32 to vector<16xf32>
        %parallel_loop3A_228 = arith.mulf %parallel_loop3A_225, %parallel_loop3A_227 : vector<16xf32>
        %parallel_loop3A_229 = arith.mulf %parallel_loop3A_217, %parallel_loop3A_217 : vector<16xf32>
        %parallel_loop3A_230 = arith.subf %parallel_loop3A_228, %parallel_loop3A_229 : vector<16xf32>
        %parallel_loop3A_231 = arith.constant 9.99999996E-13 : f32
        %parallel_loop3A_232 = vector.broadcast %parallel_loop3A_231 : f32 to vector<16xf32>
        %parallel_loop3A_233 = arith.addf %parallel_loop3A_230, %parallel_loop3A_232 : vector<16xf32>
        %parallel_loop3A_234 = tpu.bitcast %parallel_loop3A_233 : vector<16xf32> -> vector<16xi32>
        %parallel_loop3A_235 = arith.constant 1 : i32
        %parallel_loop3A_236 = vector.broadcast %parallel_loop3A_235 : i32 to vector<16xi32>
        %parallel_loop3A_237 = arith.shrsi %parallel_loop3A_234, %parallel_loop3A_236 : vector<16xi32>
        %parallel_loop3A_238 = arith.constant 1597463007 : i32
        %parallel_loop3A_239 = vector.broadcast %parallel_loop3A_238 : i32 to vector<16xi32>
        %parallel_loop3A_240 = arith.subi %parallel_loop3A_239, %parallel_loop3A_237 : vector<16xi32>
        %parallel_loop3A_241 = tpu.bitcast %parallel_loop3A_240 : vector<16xi32> -> vector<16xf32>
        %parallel_loop3A_242 = arith.constant 5.000000e-01 : f32
        %parallel_loop3A_243 = vector.broadcast %parallel_loop3A_242 : f32 to vector<16xf32>
        %parallel_loop3A_244 = arith.mulf %parallel_loop3A_233, %parallel_loop3A_243 : vector<16xf32>
        %parallel_loop3A_245 = arith.mulf %parallel_loop3A_244, %parallel_loop3A_241 : vector<16xf32>
        %parallel_loop3A_246 = arith.mulf %parallel_loop3A_245, %parallel_loop3A_241 : vector<16xf32>
        %parallel_loop3A_247 = arith.constant 1.500000e+00 : f32
        %parallel_loop3A_248 = vector.broadcast %parallel_loop3A_247 : f32 to vector<16xf32>
        %parallel_loop3A_249 = arith.subf %parallel_loop3A_248, %parallel_loop3A_246 : vector<16xf32>
        %parallel_loop3A_250 = arith.mulf %parallel_loop3A_241, %parallel_loop3A_249 : vector<16xf32>
        %parallel_loop3A_251 = arith.mulf %parallel_loop3A_244, %parallel_loop3A_250 : vector<16xf32>
        %parallel_loop3A_252 = arith.mulf %parallel_loop3A_251, %parallel_loop3A_250 : vector<16xf32>
        %parallel_loop3A_253 = arith.constant 1.500000e+00 : f32
        %parallel_loop3A_254 = vector.broadcast %parallel_loop3A_253 : f32 to vector<16xf32>
        %parallel_loop3A_255 = arith.subf %parallel_loop3A_254, %parallel_loop3A_252 : vector<16xf32>
        %parallel_loop3A_256 = arith.mulf %parallel_loop3A_250, %parallel_loop3A_255 : vector<16xf32>
        %parallel_loop3A_257 = arith.mulf %parallel_loop3A_217, %parallel_loop3A_256 : vector<16xf32>
        %parallel_loop3A_258 = vector.broadcast %parallel_loop3A_180 : i32 to vector<16xi32>
        %parallel_loop3A_259 = arith.mulf %parallel_loop3A_184, %parallel_loop3A_256 : vector<16xf32>
        %parallel_loop3A_260 = arith.subf %parallel_loop3A_259, %parallel_loop3A_257 : vector<16xf32>
        %parallel_loop3A_261 = arith.mulf %parallel_loop3A_260, %get3A_3 : vector<16xf32>
        %parallel_loop3A_262 = arith.addf %parallel_loop3A_261, %get3A_11 : vector<16xf32>
        tpu.vector_store_idx %arg11[%shift_right_arithmetic3A_34, %and3A_45, %parallel_loop3A_258], %parallel_loop3A_262 : memref<8x8x129xf32, #tpu.memory_space<vmem>>[vector<16xi32>, vector<16xi32>, vector<16xi32>], vector<16xf32>,
        %parallel_loop3A_263 = arith.mulf %parallel_loop3A_188, %parallel_loop3A_256 : vector<16xf32>
        %parallel_loop3A_264 = arith.subf %parallel_loop3A_263, %parallel_loop3A_257 : vector<16xf32>
        %parallel_loop3A_265 = arith.mulf %parallel_loop3A_264, %get3A_5 : vector<16xf32>
        %parallel_loop3A_266 = arith.addf %parallel_loop3A_265, %get3A_13 : vector<16xf32>
        tpu.vector_store_idx %arg11[%shift_right_arithmetic3A_37, %and3A_48, %parallel_loop3A_258], %parallel_loop3A_266 : memref<8x8x129xf32, #tpu.memory_space<vmem>>[vector<16xi32>, vector<16xi32>, vector<16xi32>], vector<16xf32>,
        %parallel_loop3A_267 = arith.mulf %parallel_loop3A_192, %parallel_loop3A_256 : vector<16xf32>
        %parallel_loop3A_268 = arith.subf %parallel_loop3A_267, %parallel_loop3A_257 : vector<16xf32>
        %parallel_loop3A_269 = arith.mulf %parallel_loop3A_268, %get3A_7 : vector<16xf32>
        %parallel_loop3A_270 = arith.addf %parallel_loop3A_269, %get3A_15 : vector<16xf32>
        tpu.vector_store_idx %arg11[%shift_right_arithmetic3A_40, %and3A_51, %parallel_loop3A_258], %parallel_loop3A_270 : memref<8x8x129xf32, #tpu.memory_space<vmem>>[vector<16xi32>, vector<16xi32>, vector<16xi32>], vector<16xf32>,
        %parallel_loop3A_271 = arith.mulf %parallel_loop3A_196, %parallel_loop3A_256 : vector<16xf32>
        %parallel_loop3A_272 = arith.subf %parallel_loop3A_271, %parallel_loop3A_257 : vector<16xf32>
        %parallel_loop3A_273 = arith.mulf %parallel_loop3A_272, %get3A_9 : vector<16xf32>
        %parallel_loop3A_274 = arith.addf %parallel_loop3A_273, %get3A_17 : vector<16xf32>
        tpu.vector_store_idx %arg11[%shift_right_arithmetic3A_43, %and3A_54, %parallel_loop3A_258], %parallel_loop3A_274 : memref<8x8x129xf32, #tpu.memory_space<vmem>>[vector<16xi32>, vector<16xi32>, vector<16xi32>], vector<16xf32>,
      } {sc.loop_unroll_factor = 2 : i64, sc.parallel_access}
      %dma_start3A_110 = arith.constant 0 : i32
      %dma_start3A_111 = arith.constant 0 : i32
      %dma_start3A_112 = arith.constant 0 : i32
      %dma_start3A_113 = tpu.memref_slice %arg11[%dma_start3A_110, %dma_start3A_111, %dma_start3A_112] : memref<8x8x129xf32, #tpu.memory_space<vmem>> -> memref<8x8x128xf32, #tpu.memory_space<vmem>>
      %dma_start3A_114 = arith.constant 0 : i32
      %dma_start3A_115 = arith.constant 0 : i32
      %dma_start3A_116 = arith.constant 0 : i32
      %dma_start3A_117 = tpu.memref_slice %arg7[%mul3A_79, %dma_start3A_114, %add3A, %dma_start3A_115, %dma_start3A_116] : memref<200x8x32x8x128xf32, #tpu.memory_space<hbm>> -> memref<1x8x1x8x128xf32, #tpu.memory_space<hbm>>
      %dma_start3A_118 = tpu.memref_squeeze %dma_start3A_117 : memref<1x8x1x8x128xf32, #tpu.memory_space<hbm>> -> memref<8x8x128xf32, #tpu.memory_space<hbm>>
      %dma_start3A_119 = arith.constant 0 : i32
      %dma_start3A_120 = arith.constant 0 : i32
      %dma_start3A_121 = arith.constant 0 : i32
      %dma_start3A_122 = tpu.memref_slice %arg7[%mul3A_79, %dma_start3A_119, %add3A, %dma_start3A_120, %dma_start3A_121] : memref<200x8x32x8x128xf32, #tpu.memory_space<hbm>> -> memref<1x8x1x8x128xf32, #tpu.memory_space<hbm>>
      %dma_start3A_123 = tpu.memref_squeeze %dma_start3A_122 : memref<1x8x1x8x128xf32, #tpu.memory_space<hbm>> -> memref<8x8x128xf32, #tpu.memory_space<hbm>>
      %dma_start3A_124 = arith.constant 0 : i32
      %dma_start3A_125 = arith.constant 0 : i32
      %dma_start3A_126 = arith.constant 0 : i32
      %dma_start3A_127 = tpu.memref_slice %arg11[%dma_start3A_124, %dma_start3A_125, %dma_start3A_126] : memref<8x8x129xf32, #tpu.memory_space<vmem>> -> memref<8x8x128xf32, #tpu.memory_space<vmem>>
      tpu.enqueue_dma source(%dma_start3A_127 : memref<8x8x128xf32, #tpu.memory_space<vmem>>) target(%dma_start3A_123 : memref<8x8x128xf32, #tpu.memory_space<hbm>>) target_semaphore(%arg17 : memref<!tpu.dma_semaphore, #tpu.memory_space<semaphore_mem>>)
      %lt3A = arith.constant 99 : i32
      %lt3A_128 = arith.cmpi slt, %scan3A_77, %lt3A : i32
      %convert_element_type3A_129 = arith.extui %lt3A_128 : i1 to i32
      %cond3A_130 = arith.constant 0 : i32
      %cond3A_131 = arith.cmpi ne, %convert_element_type3A_129, %cond3A_130 : i32
      scf.if %cond3A_131 {
        %add3A_180 = arith.constant 2 : i32
        %add3A_181 = arith.addi %mul3A_79, %add3A_180 : i32
        %dma_start3A_182 = arith.constant 0 : i32
        %dma_start3A_183 = tpu.memref_slice %arg8[%add3A_181, %dma_start3A_182] : memref<200x128xi32, #tpu.memory_space<vmem>> -> memref<1x128xi32, #tpu.memory_space<vmem>>
        %dma_start3A_184 = tpu.memref_squeeze %dma_start3A_183 : memref<1x128xi32, #tpu.memory_space<vmem>> -> memref<128xi32, #tpu.memory_space<vmem>>
        %dma_start3A_185 = arith.constant 0 : i32
        %dma_start3A_186 = arith.constant 0 : i32
        %dma_start3A_187 = tpu.memref_slice %arg3[%dma_start3A_185, %dma_start3A_186] : memref<1000000x64xf32, #tpu.memory_space<hbm>> -> memref<1000000x64xf32, #tpu.memory_space<hbm>>
        tpu.enqueue_indirect_dma source(%dma_start3A_187 : memref<1000000x64xf32, #tpu.memory_space<hbm>>) target(%arg9 : memref<128x64xf32, #tpu.memory_space<vmem>>) offsets(%dma_start3A_184 : memref<128xi32, #tpu.memory_space<vmem>>) semaphore(%arg16 : memref<!tpu.dma_semaphore, #tpu.memory_space<semaphore_mem>>)
      } else {
      }
      %dma_wait3A_132 = arith.constant 0 : i32
      %dma_wait3A_133 = arith.constant 0 : i32
      %dma_wait3A_134 = tpu.memref_slice %arg3[%dma_wait3A_132, %dma_wait3A_133] : memref<1000000x64xf32, #tpu.memory_space<hbm>> -> memref<128x64xf32, #tpu.memory_space<hbm>>
      %dma_wait3A_135 = arith.constant 0 : i32
      %dma_wait3A_136 = arith.constant 0 : i32
      %dma_wait3A_137 = tpu.memref_slice %arg3[%dma_wait3A_135, %dma_wait3A_136] : memref<1000000x64xf32, #tpu.memory_space<hbm>> -> memref<128x64xf32, #tpu.memory_space<hbm>>
      tpu.wait_dma2 semaphore(%arg16 : memref<!tpu.dma_semaphore, #tpu.memory_space<semaphore_mem>>) src(%dma_wait3A_137 : memref<128x64xf32, #tpu.memory_space<hbm>>) dst(%arg10 : memref<128x64xf32, #tpu.memory_space<vmem>>)
      %ge3A_138 = arith.constant 1 : i32
      %ge3A_139 = arith.cmpi sge, %scan3A_77, %ge3A_138 : i32
      %convert_element_type3A_140 = arith.extui %ge3A_139 : i1 to i32
      %cond3A_141 = arith.constant 0 : i32
      %cond3A_142 = arith.cmpi ne, %convert_element_type3A_140, %cond3A_141 : i32
      scf.if %cond3A_142 {
        %dma_wait3A_180 = arith.constant 0 : i32
        %dma_wait3A_181 = arith.constant 0 : i32
        %dma_wait3A_182 = tpu.memref_slice %arg3[%dma_wait3A_180, %dma_wait3A_181] : memref<1000000x64xf32, #tpu.memory_space<hbm>> -> memref<128x64xf32, #tpu.memory_space<hbm>>
        %dma_wait3A_183 = arith.constant 0 : i32
        %dma_wait3A_184 = arith.constant 0 : i32
        %dma_wait3A_185 = tpu.memref_slice %arg3[%dma_wait3A_183, %dma_wait3A_184] : memref<1000000x64xf32, #tpu.memory_space<hbm>> -> memref<128x64xf32, #tpu.memory_space<hbm>>
        tpu.wait_dma2 semaphore(%arg18 : memref<!tpu.dma_semaphore, #tpu.memory_space<semaphore_mem>>) src(%dma_wait3A_185 : memref<128x64xf32, #tpu.memory_space<hbm>>) dst(%arg9 : memref<128x64xf32, #tpu.memory_space<vmem>>)
      } else {
      }
      %add3A_143 = arith.constant 1 : i32
      %add3A_144 = arith.addi %mul3A_79, %add3A_143 : i32
      %get3A_145 = arith.index_cast %add3A_144 : i32 to index
      %get3A_146 = arith.constant 0 : index
      %get3A_147 = tpu.vector_load %arg13[%get3A_145, %get3A_146] {strides = array<i32>} : memref<200x64xf32, #tpu.memory_space<vmem>>, vector<16xf32>,
      %get3A_148 = arith.index_cast %add3A_144 : i32 to index
      %get3A_149 = arith.constant 16 : index
      %get3A_150 = tpu.vector_load %arg13[%get3A_148, %get3A_149] {strides = array<i32>} : memref<200x64xf32, #tpu.memory_space<vmem>>, vector<16xf32>,
      %get3A_151 = arith.index_cast %add3A_144 : i32 to index
      %get3A_152 = arith.constant 32 : index
      %get3A_153 = tpu.vector_load %arg13[%get3A_151, %get3A_152] {strides = array<i32>} : memref<200x64xf32, #tpu.memory_space<vmem>>, vector<16xf32>,
      %get3A_154 = arith.index_cast %add3A_144 : i32 to index
      %get3A_155 = arith.constant 48 : index
      %get3A_156 = tpu.vector_load %arg13[%get3A_154, %get3A_155] {strides = array<i32>} : memref<200x64xf32, #tpu.memory_space<vmem>>, vector<16xf32>,
      %parallel_loop3A_157 = arith.constant 0 : i32
      %parallel_loop3A_158 = arith.constant 128 : i32
      %parallel_loop3A_159 = arith.constant 1 : i32
      scf.for %parallel_loop3A_180 = %parallel_loop3A_157 to %parallel_loop3A_158 step %parallel_loop3A_159  : i32 {
        %parallel_loop3A_181 = arith.index_cast %parallel_loop3A_180 : i32 to index
        %parallel_loop3A_182 = arith.constant 0 : index
        %parallel_loop3A_183 = tpu.vector_load %arg10[%parallel_loop3A_181, %parallel_loop3A_182] {strides = array<i32>} : memref<128x64xf32, #tpu.memory_space<vmem>>, vector<16xf32>,
        %parallel_loop3A_184 = arith.addf %parallel_loop3A_183, %get3A_147 : vector<16xf32>
        %parallel_loop3A_185 = arith.index_cast %parallel_loop3A_180 : i32 to index
        %parallel_loop3A_186 = arith.constant 16 : index
        %parallel_loop3A_187 = tpu.vector_load %arg10[%parallel_loop3A_185, %parallel_loop3A_186] {strides = array<i32>} : memref<128x64xf32, #tpu.memory_space<vmem>>, vector<16xf32>,
        %parallel_loop3A_188 = arith.addf %parallel_loop3A_187, %get3A_150 : vector<16xf32>
        %parallel_loop3A_189 = arith.index_cast %parallel_loop3A_180 : i32 to index
        %parallel_loop3A_190 = arith.constant 32 : index
        %parallel_loop3A_191 = tpu.vector_load %arg10[%parallel_loop3A_189, %parallel_loop3A_190] {strides = array<i32>} : memref<128x64xf32, #tpu.memory_space<vmem>>, vector<16xf32>,
        %parallel_loop3A_192 = arith.addf %parallel_loop3A_191, %get3A_153 : vector<16xf32>
        %parallel_loop3A_193 = arith.index_cast %parallel_loop3A_180 : i32 to index
        %parallel_loop3A_194 = arith.constant 48 : index
        %parallel_loop3A_195 = tpu.vector_load %arg10[%parallel_loop3A_193, %parallel_loop3A_194] {strides = array<i32>} : memref<128x64xf32, #tpu.memory_space<vmem>>, vector<16xf32>,
        %parallel_loop3A_196 = arith.addf %parallel_loop3A_195, %get3A_156 : vector<16xf32>
        %parallel_loop3A_197 = arith.addf %parallel_loop3A_184, %parallel_loop3A_188 : vector<16xf32>
        %parallel_loop3A_198 = arith.addf %parallel_loop3A_197, %parallel_loop3A_192 : vector<16xf32>
        %parallel_loop3A_199 = arith.addf %parallel_loop3A_198, %parallel_loop3A_196 : vector<16xf32>
        %parallel_loop3A_200 = arith.mulf %parallel_loop3A_184, %parallel_loop3A_184 : vector<16xf32>
        %parallel_loop3A_201 = arith.mulf %parallel_loop3A_188, %parallel_loop3A_188 : vector<16xf32>
        %parallel_loop3A_202 = arith.addf %parallel_loop3A_200, %parallel_loop3A_201 : vector<16xf32>
        %parallel_loop3A_203 = arith.mulf %parallel_loop3A_192, %parallel_loop3A_192 : vector<16xf32>
        %parallel_loop3A_204 = arith.addf %parallel_loop3A_202, %parallel_loop3A_203 : vector<16xf32>
        %parallel_loop3A_205 = arith.mulf %parallel_loop3A_196, %parallel_loop3A_196 : vector<16xf32>
        %parallel_loop3A_206 = arith.addf %parallel_loop3A_204, %parallel_loop3A_205 : vector<16xf32>
        %parallel_loop3A_207 = arith.constant true
        %parallel_loop3A_208 = vector.broadcast %parallel_loop3A_207 : i1 to vector<16xi1>
        %parallel_loop3A_209 = tpu.scan <sum>, %parallel_loop3A_199 masked %parallel_loop3A_208 : vector<16xf32>, vector<16xi1> -> vector<16xf32>
        %parallel_loop3A_210 = arith.constant 15 : i32
        %parallel_loop3A_211 = vector.broadcast %parallel_loop3A_210 : i32 to vector<16xi32>
        %parallel_loop3A_212 = vector.shape_cast %parallel_loop3A_211 : vector<16xi32> to vector<16x1xi32>
        %parallel_loop3A_213 = vector.shape_cast %parallel_loop3A_212 : vector<16x1xi32> to vector<16xi32>
        %parallel_loop3A_214 = tpu.dynamic_gather %parallel_loop3A_209[%parallel_loop3A_213] in [0] : vector<16xf32>, vector<16xi32> -> vector<16xf32>
        %parallel_loop3A_215 = arith.constant 1.562500e-02 : f32
        %parallel_loop3A_216 = vector.broadcast %parallel_loop3A_215 : f32 to vector<16xf32>
        %parallel_loop3A_217 = arith.mulf %parallel_loop3A_214, %parallel_loop3A_216 : vector<16xf32>
        %parallel_loop3A_218 = arith.constant true
        %parallel_loop3A_219 = vector.broadcast %parallel_loop3A_218 : i1 to vector<16xi1>
        %parallel_loop3A_220 = tpu.scan <sum>, %parallel_loop3A_206 masked %parallel_loop3A_219 : vector<16xf32>, vector<16xi1> -> vector<16xf32>
        %parallel_loop3A_221 = arith.constant 15 : i32
        %parallel_loop3A_222 = vector.broadcast %parallel_loop3A_221 : i32 to vector<16xi32>
        %parallel_loop3A_223 = vector.shape_cast %parallel_loop3A_222 : vector<16xi32> to vector<16x1xi32>
        %parallel_loop3A_224 = vector.shape_cast %parallel_loop3A_223 : vector<16x1xi32> to vector<16xi32>
        %parallel_loop3A_225 = tpu.dynamic_gather %parallel_loop3A_220[%parallel_loop3A_224] in [0] : vector<16xf32>, vector<16xi32> -> vector<16xf32>
        %parallel_loop3A_226 = arith.constant 1.562500e-02 : f32
        %parallel_loop3A_227 = vector.broadcast %parallel_loop3A_226 : f32 to vector<16xf32>
        %parallel_loop3A_228 = arith.mulf %parallel_loop3A_225, %parallel_loop3A_227 : vector<16xf32>
        %parallel_loop3A_229 = arith.mulf %parallel_loop3A_217, %parallel_loop3A_217 : vector<16xf32>
        %parallel_loop3A_230 = arith.subf %parallel_loop3A_228, %parallel_loop3A_229 : vector<16xf32>
        %parallel_loop3A_231 = arith.constant 9.99999996E-13 : f32
        %parallel_loop3A_232 = vector.broadcast %parallel_loop3A_231 : f32 to vector<16xf32>
        %parallel_loop3A_233 = arith.addf %parallel_loop3A_230, %parallel_loop3A_232 : vector<16xf32>
        %parallel_loop3A_234 = tpu.bitcast %parallel_loop3A_233 : vector<16xf32> -> vector<16xi32>
        %parallel_loop3A_235 = arith.constant 1 : i32
        %parallel_loop3A_236 = vector.broadcast %parallel_loop3A_235 : i32 to vector<16xi32>
        %parallel_loop3A_237 = arith.shrsi %parallel_loop3A_234, %parallel_loop3A_236 : vector<16xi32>
        %parallel_loop3A_238 = arith.constant 1597463007 : i32
        %parallel_loop3A_239 = vector.broadcast %parallel_loop3A_238 : i32 to vector<16xi32>
        %parallel_loop3A_240 = arith.subi %parallel_loop3A_239, %parallel_loop3A_237 : vector<16xi32>
        %parallel_loop3A_241 = tpu.bitcast %parallel_loop3A_240 : vector<16xi32> -> vector<16xf32>
        %parallel_loop3A_242 = arith.constant 5.000000e-01 : f32
        %parallel_loop3A_243 = vector.broadcast %parallel_loop3A_242 : f32 to vector<16xf32>
        %parallel_loop3A_244 = arith.mulf %parallel_loop3A_233, %parallel_loop3A_243 : vector<16xf32>
        %parallel_loop3A_245 = arith.mulf %parallel_loop3A_244, %parallel_loop3A_241 : vector<16xf32>
        %parallel_loop3A_246 = arith.mulf %parallel_loop3A_245, %parallel_loop3A_241 : vector<16xf32>
        %parallel_loop3A_247 = arith.constant 1.500000e+00 : f32
        %parallel_loop3A_248 = vector.broadcast %parallel_loop3A_247 : f32 to vector<16xf32>
        %parallel_loop3A_249 = arith.subf %parallel_loop3A_248, %parallel_loop3A_246 : vector<16xf32>
        %parallel_loop3A_250 = arith.mulf %parallel_loop3A_241, %parallel_loop3A_249 : vector<16xf32>
        %parallel_loop3A_251 = arith.mulf %parallel_loop3A_244, %parallel_loop3A_250 : vector<16xf32>
        %parallel_loop3A_252 = arith.mulf %parallel_loop3A_251, %parallel_loop3A_250 : vector<16xf32>
        %parallel_loop3A_253 = arith.constant 1.500000e+00 : f32
        %parallel_loop3A_254 = vector.broadcast %parallel_loop3A_253 : f32 to vector<16xf32>
        %parallel_loop3A_255 = arith.subf %parallel_loop3A_254, %parallel_loop3A_252 : vector<16xf32>
        %parallel_loop3A_256 = arith.mulf %parallel_loop3A_250, %parallel_loop3A_255 : vector<16xf32>
        %parallel_loop3A_257 = arith.mulf %parallel_loop3A_217, %parallel_loop3A_256 : vector<16xf32>
        %parallel_loop3A_258 = vector.broadcast %parallel_loop3A_180 : i32 to vector<16xi32>
        %parallel_loop3A_259 = arith.mulf %parallel_loop3A_184, %parallel_loop3A_256 : vector<16xf32>
        %parallel_loop3A_260 = arith.subf %parallel_loop3A_259, %parallel_loop3A_257 : vector<16xf32>
        %parallel_loop3A_261 = arith.mulf %parallel_loop3A_260, %get3A_3 : vector<16xf32>
        %parallel_loop3A_262 = arith.addf %parallel_loop3A_261, %get3A_11 : vector<16xf32>
        tpu.vector_store_idx %arg12[%shift_right_arithmetic3A_34, %and3A_45, %parallel_loop3A_258], %parallel_loop3A_262 : memref<8x8x129xf32, #tpu.memory_space<vmem>>[vector<16xi32>, vector<16xi32>, vector<16xi32>], vector<16xf32>,
        %parallel_loop3A_263 = arith.mulf %parallel_loop3A_188, %parallel_loop3A_256 : vector<16xf32>
        %parallel_loop3A_264 = arith.subf %parallel_loop3A_263, %parallel_loop3A_257 : vector<16xf32>
        %parallel_loop3A_265 = arith.mulf %parallel_loop3A_264, %get3A_5 : vector<16xf32>
        %parallel_loop3A_266 = arith.addf %parallel_loop3A_265, %get3A_13 : vector<16xf32>
        tpu.vector_store_idx %arg12[%shift_right_arithmetic3A_37, %and3A_48, %parallel_loop3A_258], %parallel_loop3A_266 : memref<8x8x129xf32, #tpu.memory_space<vmem>>[vector<16xi32>, vector<16xi32>, vector<16xi32>], vector<16xf32>,
        %parallel_loop3A_267 = arith.mulf %parallel_loop3A_192, %parallel_loop3A_256 : vector<16xf32>
        %parallel_loop3A_268 = arith.subf %parallel_loop3A_267, %parallel_loop3A_257 : vector<16xf32>
        %parallel_loop3A_269 = arith.mulf %parallel_loop3A_268, %get3A_7 : vector<16xf32>
        %parallel_loop3A_270 = arith.addf %parallel_loop3A_269, %get3A_15 : vector<16xf32>
        tpu.vector_store_idx %arg12[%shift_right_arithmetic3A_40, %and3A_51, %parallel_loop3A_258], %parallel_loop3A_270 : memref<8x8x129xf32, #tpu.memory_space<vmem>>[vector<16xi32>, vector<16xi32>, vector<16xi32>], vector<16xf32>,
        %parallel_loop3A_271 = arith.mulf %parallel_loop3A_196, %parallel_loop3A_256 : vector<16xf32>
        %parallel_loop3A_272 = arith.subf %parallel_loop3A_271, %parallel_loop3A_257 : vector<16xf32>
        %parallel_loop3A_273 = arith.mulf %parallel_loop3A_272, %get3A_9 : vector<16xf32>
        %parallel_loop3A_274 = arith.addf %parallel_loop3A_273, %get3A_17 : vector<16xf32>
        tpu.vector_store_idx %arg12[%shift_right_arithmetic3A_43, %and3A_54, %parallel_loop3A_258], %parallel_loop3A_274 : memref<8x8x129xf32, #tpu.memory_space<vmem>>[vector<16xi32>, vector<16xi32>, vector<16xi32>], vector<16xf32>,
      } {sc.loop_unroll_factor = 2 : i64, sc.parallel_access}
      %add3A_160 = arith.constant 1 : i32
      %add3A_161 = arith.addi %mul3A_79, %add3A_160 : i32
      %dma_start3A_162 = arith.constant 0 : i32
      %dma_start3A_163 = arith.constant 0 : i32
      %dma_start3A_164 = arith.constant 0 : i32
      %dma_start3A_165 = tpu.memref_slice %arg12[%dma_start3A_162, %dma_start3A_163, %dma_start3A_164] : memref<8x8x129xf32, #tpu.memory_space<vmem>> -> memref<8x8x128xf32, #tpu.memory_space<vmem>>
      %dma_start3A_166 = arith.constant 0 : i32
      %dma_start3A_167 = arith.constant 0 : i32
      %dma_start3A_168 = arith.constant 0 : i32
      %dma_start3A_169 = tpu.memref_slice %arg7[%add3A_161, %dma_start3A_166, %add3A, %dma_start3A_167, %dma_start3A_168] : memref<200x8x32x8x128xf32, #tpu.memory_space<hbm>> -> memref<1x8x1x8x128xf32, #tpu.memory_space<hbm>>
      %dma_start3A_170 = tpu.memref_squeeze %dma_start3A_169 : memref<1x8x1x8x128xf32, #tpu.memory_space<hbm>> -> memref<8x8x128xf32, #tpu.memory_space<hbm>>
      %dma_start3A_171 = arith.constant 0 : i32
      %dma_start3A_172 = arith.constant 0 : i32
      %dma_start3A_173 = arith.constant 0 : i32
      %dma_start3A_174 = tpu.memref_slice %arg7[%add3A_161, %dma_start3A_171, %add3A, %dma_start3A_172, %dma_start3A_173] : memref<200x8x32x8x128xf32, #tpu.memory_space<hbm>> -> memref<1x8x1x8x128xf32, #tpu.memory_space<hbm>>
      %dma_start3A_175 = tpu.memref_squeeze %dma_start3A_174 : memref<1x8x1x8x128xf32, #tpu.memory_space<hbm>> -> memref<8x8x128xf32, #tpu.memory_space<hbm>>
      %dma_start3A_176 = arith.constant 0 : i32
      %dma_start3A_177 = arith.constant 0 : i32
      %dma_start3A_178 = arith.constant 0 : i32
      %dma_start3A_179 = tpu.memref_slice %arg12[%dma_start3A_176, %dma_start3A_177, %dma_start3A_178] : memref<8x8x129xf32, #tpu.memory_space<vmem>> -> memref<8x8x128xf32, #tpu.memory_space<vmem>>
      tpu.enqueue_dma source(%dma_start3A_179 : memref<8x8x128xf32, #tpu.memory_space<vmem>>) target(%dma_start3A_175 : memref<8x8x128xf32, #tpu.memory_space<hbm>>) target_semaphore(%arg18 : memref<!tpu.dma_semaphore, #tpu.memory_space<semaphore_mem>>)
    }
    %scan3A_65 = arith.constant 100 : i32
    %dma_wait3A = arith.constant 0 : i32
    %dma_wait3A_66 = arith.constant 0 : i32
    %dma_wait3A_67 = tpu.memref_slice %arg3[%dma_wait3A, %dma_wait3A_66] : memref<1000000x64xf32, #tpu.memory_space<hbm>> -> memref<128x64xf32, #tpu.memory_space<hbm>>
    %dma_wait3A_68 = arith.constant 0 : i32
    %dma_wait3A_69 = arith.constant 0 : i32
    %dma_wait3A_70 = tpu.memref_slice %arg3[%dma_wait3A_68, %dma_wait3A_69] : memref<1000000x64xf32, #tpu.memory_space<hbm>> -> memref<128x64xf32, #tpu.memory_space<hbm>>
    tpu.wait_dma2 semaphore(%arg17 : memref<!tpu.dma_semaphore, #tpu.memory_space<semaphore_mem>>) src(%dma_wait3A_70 : memref<128x64xf32, #tpu.memory_space<hbm>>) dst(%arg9 : memref<128x64xf32, #tpu.memory_space<vmem>>)
    %dma_wait3A_71 = arith.constant 0 : i32
    %dma_wait3A_72 = arith.constant 0 : i32
    %dma_wait3A_73 = tpu.memref_slice %arg3[%dma_wait3A_71, %dma_wait3A_72] : memref<1000000x64xf32, #tpu.memory_space<hbm>> -> memref<128x64xf32, #tpu.memory_space<hbm>>
    %dma_wait3A_74 = arith.constant 0 : i32
    %dma_wait3A_75 = arith.constant 0 : i32
    %dma_wait3A_76 = tpu.memref_slice %arg3[%dma_wait3A_74, %dma_wait3A_75] : memref<1000000x64xf32, #tpu.memory_space<hbm>> -> memref<128x64xf32, #tpu.memory_space<hbm>>
    tpu.wait_dma2 semaphore(%arg18 : memref<!tpu.dma_semaphore, #tpu.memory_space<semaphore_mem>>) src(%dma_wait3A_76 : memref<128x64xf32, #tpu.memory_space<hbm>>) dst(%arg9 : memref<128x64xf32, #tpu.memory_space<vmem>>)
    return
  }
}

</mosaic_0001>

<sc_bundles>
// kernel: kernel.3.cloned.1.call-start
scs
__scs_entry_jumppad:
0x0: {  	(pc) =	sbr.rel $0x88, $3  }
0x1: {  	(tag) =	ssettag $0x0;
	lr =	simm.s32 $0x1  }
0x2: {  	[smem:$0x3F9C] =	sst lr;
	_ =	strace $0xD0000000  }
0x3: {  	_ = 	snop  }
0x4: {  	_ = 	snop  }
0x5: {  	_ = 	snop  }
0x6: {  	_ = 	snop  }
0x7: {  	_ = 	snop  }
__scs_overlays_trampoline_lowered:
0x8: {  	[smem:$0x3FAB] =	sst s0  }
0x9: {  	[smem:$0x3FAC] =	sst s1  }
0xa: {  	[smem:$0x3FAD] =	sst s2  }
0xb: {  	[smem:$0x3FAE] =	sst s3  }
0xc: {  	[smem:$0x3FAF] =	sst s4  }
0xd: {  	[smem:$0x3FB0] =	sst s5  }
0xe: {  	[smem:$0x3FB1] =	sst s6  }
0xf: {  	[smem:$0x3FB2] =	sst s7  }
0x10: {  	[smem:$0x3FB3] =	sst s8  }
0x11: {  	[smem:$0x3FB4] =	sst s9;
	s0 =	simm.s32 @!p0 $0x0  }
0x12: {  	s1 =	sld [smem:$0x3F9A];
	s0 =	simm.s32 @p0 $0x1  }
0x13: {  	[smem:$0x3FB5] =	sst s0;
	s0 =	simm.s32 @!p1 $0x0  }
0x14: {  	s2 =	sld [smem:$0x3F99];
	s0 =	simm.s32 @p1 $0x1  }
0x15: {  	[smem:$0x3FB6] =	sst s0;
	s0 =	simm.s32 @!p2 $0x0  }
0x16: {  	s3 =	sld [smem:$0x3FDB];
	s0 =	simm.s32 @p2 $0x1  }
0x17: {  	s4 =	simm.s32 $0x1BF5;
	[smem:$0x3FB8] =	sst s0  }
0x18: {  	s0 =	sld [smem:$0x3F9B];
	_ =	swait.ge [sflag:s4], $0x0  }
0x19: {  	s7 =	sld [smem:$0x3F9C]  }
0x1a: {  	s8 =	sadd.s32 $0xFFFFE003, lr  }
0x1b: {  	s9 =	sadd.s32 $0xFFFFFEF7, lr;
	s5 =	simm.s32 $0xFFFFFFFF;
	p2 =	slt.u32 s8, $0xFFFFF086  }
0x1c: {  	p1 =	slt.u32 s9, $0xF7A;
	s5 =	simm.s32 @!p2 $0x0  }
0x1d: {  	s5 =	simm.s32 @p1 $0x1;
	p0 =	seq.s32 s7, s2  }
0x1e: {  	s7 =	smul.u32 @!p0 $0xF7A, s2;
	p2 =	seq.s32 @!p0 s5, $0x0  }
0x1f: {  	s9 =	smul.u32 $0xF7A, s1;
	s8 =	simm.s32 @!p0 $0x1BF5;
	p2 =	por !p2, p0  }
0x20: {  	[sflag:s8] =	ssyncset.s32 @!p0 $0xFFFFF086;
	s6 =	sadd.s32 @!p0 s3, s7;
	s7 =	simm.s32 @!p0 $0x108  }
0x21: {  	s3 =	sadd.s32 s3, s9;
	s6 =	sadd.s32 @!p0 $0x88, s6;
	s7 =	simm.s32 @p2 $0x1082  }
0x22: {  	[simem:s7], [sflag:s8] =	dma.local @!p0 [hbm:s6], $0xF7A  }
0x23: {  	s9 =	sor.u32 $0xD0000000, s2;
	s6 =	simm.s32 $0x108;
	_ =	swait.ge @!p0 [sflag:s8], $0x0  }
0x24: {  	s3 =	sadd.s32 $0x88, s3;
	s6 =	simm.s32 @!p1 $0x1082;
	[sflag:s4] =	ssyncset.s32 $0xFFFFF086  }
0x25: {  	[simem:s6], [sflag:s4] =	dma.local [hbm:s3], $0xF7A  }
0x26: {  	[smem:$0x3F9C] =	sst s1;
	(tag) =	ssettag s2;
	_ =	strace s9  }
0x27: {  	s1 =	sld [smem:$0x3FAC]  }
0x28: {  	s2 =	sld [smem:$0x3FAD]  }
0x29: {  	s4 =	sld [smem:$0x3FAF]  }
0x2a: {  	p0 =	seq.s32 s5, $0x0;
	s5 =	sld [smem:$0x3FB0]  }
0x2b: {  	s6 =	sld [smem:$0x3FB1]  }
0x2c: {  	s7 =	sld [smem:$0x3FB2]  }
0x2d: {  	s3 =	simm.s32 $0x108;
	s8 =	sld [smem:$0x3FB3]  }
0x2e: {  	s3 =	simm.s32 @!p0 $0x1082;
	s9 =	sld [smem:$0x3FB4]  }
0x2f: {  	lr =	sadd.s32 s0, s3;
	s0 =	sld [smem:$0x3FAB]  }
0x30: {  	s3 =	sld [smem:$0x3FAE]  }
0x31: {  	[smem:$0x3FB7] =	sst s10  }
0x32: {  	s10 =	sld [smem:$0x3FB5];
	_ =	sdelay $0x3  }
0x33: {  	p0 =	seq.s32 s10, $0x1;
	s10 =	sld [smem:$0x3FB7];
	_ =	sdelay $0x3  }
0x34: {  	[smem:$0x3FB7] =	sst s10  }
0x35: {  	s10 =	sld [smem:$0x3FB6];
	_ =	sdelay $0x3  }
0x36: {  	p1 =	seq.s32 s10, $0x1;
	s10 =	sld [smem:$0x3FB7];
	_ =	sdelay $0x3  }
0x37: {  	[smem:$0x3FB7] =	sst s10  }
0x38: {  	s10 =	sld [smem:$0x3FB8]  }
0x39: {  	_ = 	snop;
	(pc) =	sbr.ind lr, $3  }
0x3a: {  	_ = 	snop  }
0x3b: {  	_ = 	snop  }
0x3c: {  	p2 =	seq.s32 s10, $0x1;
	s10 =	sld [smem:$0x3FB7]  }
0x3d: {  	_ =	shalt  }
0x3e: {  	_ =	shalt  }
0x3f: {  	_ =	shalt  }
0x40: {  	_ =	shalt  }
0x41: {  	_ =	shalt  }
0x42: {  	_ =	shalt  }
0x43: {  	_ =	shalt  }
0x44: {  	_ =	shalt  }
0x45: {  	_ =	shalt  }
0x46: {  	_ =	shalt  }
0x47: {  	_ =	shalt  }
0x48: {  	_ =	shalt  }
0x49: {  	_ =	shalt  }
0x4a: {  	_ =	shalt  }
0x4b: {  	_ =	shalt  }
0x4c: {  	_ =	shalt  }
0x4d: {  	_ =	shalt  }
0x4e: {  	_ =	shalt  }
0x4f: {  	_ =	shalt  }
0x50: {  	_ =	shalt  }
0x51: {  	_ =	shalt  }
0x52: {  	_ =	shalt  }
0x53: {  	_ =	shalt  }
0x54: {  	_ =	shalt  }
0x55: {  	_ =	shalt  }
0x56: {  	_ =	shalt  }
0x57: {  	_ =	shalt  }
0x58: {  	_ =	shalt  }
0x59: {  	_ =	shalt  }
0x5a: {  	_ =	shalt  }
0x5b: {  	_ =	shalt  }
0x5c: {  	_ =	shalt  }
0x5d: {  	_ =	shalt  }
0x5e: {  	_ =	shalt  }
0x5f: {  	_ =	shalt  }
0x60: {  	_ =	shalt  }
0x61: {  	_ =	shalt  }
0x62: {  	_ =	shalt  }
0x63: {  	_ =	shalt  }
0x64: {  	_ =	shalt  }
0x65: {  	_ =	shalt  }
0x66: {  	_ =	shalt  }
0x67: {  	_ =	shalt  }
0x68: {  	_ =	shalt  }
0x69: {  	_ =	shalt  }
0x6a: {  	_ =	shalt  }
0x6b: {  	_ =	shalt  }
0x6c: {  	_ =	shalt  }
0x6d: {  	_ =	shalt  }
0x6e: {  	_ =	shalt  }
0x6f: {  	_ =	shalt  }
0x70: {  	_ =	shalt  }
0x71: {  	_ =	shalt  }
0x72: {  	_ =	shalt  }
0x73: {  	_ =	shalt  }
0x74: {  	_ =	shalt  }
0x75: {  	_ =	shalt  }
0x76: {  	_ =	shalt  }
0x77: {  	_ =	shalt  }
0x78: {  	_ =	shalt  }
0x79: {  	_ =	shalt  }
0x7a: {  	_ =	shalt  }
0x7b: {  	_ =	shalt  }
0x7c: {  	_ =	shalt  }
0x7d: {  	_ =	shalt  }
0x7e: {  	_ =	shalt  }
0x7f: {  	_ =	shalt  }
0x80: {  	_ =	shalt  }
0x81: {  	_ =	shalt  }
0x82: {  	_ =	shalt  }
0x83: {  	_ =	shalt  }
0x84: {  	_ =	shalt  }
0x85: {  	_ =	shalt  }
0x86: {  	_ =	shalt  }
0x87: {  	_ =	shalt  }
.Lfunc_end0:
.L_simem_size_0:
called_computation_lowered:
.L_overlay_start_0:
0x88: {  	s2 =	sld [smem:$0x3FD9]  }
0x89: {  	s3 =	sld [smem:$0x3FFE];
	_ =	sdelay $0x1  }
0x8a: {  	s1 =	srdreg.scid  }
0x8b: {  	s0 =	sand.u32 $0x1, s1  }
0x8c: {  	s17 =	sshll.u32 s0, $0xA;
	s2 =	sadd.s32 s3, s2  }
0x8d: {  	s2 =	sadd.s32 s2, s17  }
0x8e: {  	[smem:$0x3FC3] =	sst s2  }
0x8f: {  	_ = 	snop  }
0x90: {  	s2 =	sld [smem:$0x3FC6]  }
0x91: {  	s18 =	sld [smem:$0x3FC5]  }
0x92: {  	s4 =	sld [smem:$0x3FD0];
	(tm) =	ssettm $0x1  }
0x93: {  	s5 =	sld [smem:$0x3FFB];
	_ =	sdelay $0x3  }
0x94: {  	_ =	strace s5  }
0x95: {  	s5 =	sld [smem:$0x3FFC];
	_ =	sdelay $0x3  }
0x96: {  	_ =	strace s5  }
0x97: {  	s5 =	sld [smem:$0x3FFD];
	_ =	sdelay $0x3  }
0x98: {  	_ =	strace s5  }
0x99: {  	_ =	strace $0x8FFFFFFF  }
0x9a: {  	s19 =	sld [smem:$0x3FDB];
	_ =	sdelay $0x1  }
0x9b: {  	s6 =	simm.s32 $_scs_section_size  }
0x9c: {  	s7 =	simm.s32 $_size__tile_overlayer_lowered;
	s8 =	simm.s32 $_tile_overlayer_lowered  }
0x9d: {  	s22 =	simm.s32 $0x1BFF;
	s21 =	sshll.u32 s8, $0x1;
	s5 =	sadd.s32 s6, s19  }
0x9e: {  	s9 =	simm.s32 $0x0;
	s20 =	sshll.u32 s7, $0x1;
	s7 =	sadd.s32 s21, s5  }
0x9f: {  	[timem:s9], [sflag:s22] =	dma.local [hbm:s7], s20  }
0xa0: {  	_ =	swait.ge [sflag:s22], s20  }
0xa1: {  	s6 =	ssub.s32 $0x0, s20;
	[sflag:s22] =	ssyncset.done $0x0  }
0xa2: {  	[sflag:s22] =	ssyncadd.s32 s6;
	_ =	sdelay $0x1  }
0xa3: {  	s23 =	simm.s32 $0x1B8B  }
0xa4: {  	_ =	swait.ge [sflag:s23], $0x1  }
0xa5: {  	[sflag:s23] =	ssyncset.done $0x0  }
0xa6: {  	s25 =	simm.s32 $0x1B8E;
	s24 =	sld [smem:$0x3FFE];
	[sflag:s23] =	ssyncadd.s32 $0xFFFFFFFF  }
0xa7: {  	s26 =	simm.s32 $execute0_lowered;
	[smem:$0x3FD2] =	sst s25  }
0xa8: {  	s7 =	sshll.u32 s26, $0x1;
	_ =	strace $0x80000046;
	[dreg:$0x1] =	wrdreg $0xFFFFFFFF  }
0xa9: {  	s28 =	simm.s32 $_size_execute0_lowered;
	s5 =	sadd.s32 s5, s7;
	[dreg:$0x0] =	wrdreg $0x0  }
0xaa: {  	s7 =	sshll.u32 s28, $0x1;
	[dreg:$0x2] =	wrdreg s5  }
0xab: {  	[dreg:$0x3] =	wrdreg s7  }
0xac: {  	[dreg:$0x4] =	wrdreg $0xC0  }
0xad: {  	_ =	task [dreg:s9], $0x5FFFF  }
0xae: {  	[dreg:$0x1] =	wrdreg $0xFFFFFFFF  }
0xaf: {  	[dreg:$0x0] =	wrdreg $0x60  }
0xb0: {  	[dreg:$0x2] =	wrdreg s24  }
0xb1: {  	[dreg:$0x3] =	wrdreg s2  }
0xb2: {  	[dreg:$0x4] =	wrdreg s18  }
0xb3: {  	[dreg:$0x5] =	wrdreg s4  }
0xb4: {  	[dreg:$0x6] =	wrdreg $0x9  }
0xb5: {  	_ =	task.clear_ibuf [dreg:s9], $0x7FFFF;
	_ =	strace $0x90000046  }
0xb6: {  	s29 =	simm.s32 $0x9;
	_ =	strace $0x80000048  }
0xb7: {  	_ =	swait.ge [sflag:s29], $0x1  }
0xb8: {  	[sflag:s29] =	ssyncadd.s32 $0xFFFFFFFF  }
0xb9: {  	_ =	strace $0x90000048  }
0xba: {  	_ =	sfence  }
0xbb: {  	s30 =	sld [smem:$0x0];
	_ =	sdelay $0x2  }
0xbc: {  	s31 =	sshll.u32 s1, $0xD;
	s1 =	sshrl.u32 s1, $0x2  }
0xbd: {  	s3 =	sand.u32 $0x4000, s31;
	s1 =	sadd.s32 s1, s30  }
0xbe: {  	s0 =	sor.u32 s3, s0;
	s1 =	sshll.u32 s1, $0x11  }
0xbf: {  	s0 =	sor.u32 s1, s0  }
0xc0: {  	s0 =	sadd.s32 $0x8F2B, s0  }
0xc1: {  	[sflag:s0] =	ssyncadd.remote.s32 $0x1  }
0xc2: {  	_ =	sfence.sel $0xFFFF  }
0xc3: {  	[dreg:$0x0] =	wrdreg $0xFFFFFFFF;
	(pc) =	sbr.abs _section_cstart, $3  }
0xc4: {  	[dreg:$0x1] =	wrdreg $0xFFFFFFFF  }
0xc5: {  	_ =	task.clear_ibuf [dreg:s9], $0x2FFFF;
	_ =	strace $0x9FFFFFFF  }
0xc6: {  	(tm) =	ssettm $0x7FFFFFFF  }
0xc7: {  	_ =	shalt  }
tec
execute0_lowered:
.L_overlay_start_1:
0x0: {  	(tag) =	ssettag $0x1  }
0x1: {  	s2 =	rddreg [dreg:$0x0]  }
0x2: {  	s1 =	rddreg [dreg:$0x1]  }
0x3: {  	s3 =	rddreg [dreg:$0x2];
	s5 =	srdreg.scid  }
0x4: {  	s0 =	stileid.u32;
	s4 =	rddreg [dreg:$0x3]  }
0x5: {  	s11 =	simm.s32 $0xE800;
	s12 =	simm.s32 $0x4;
	s13 =	simm.s32 $0x11A00  }
0x6: {  	s14 =	simm.s32 $0x11A40;
	s15 =	simm.s32 $0x80;
	s16 =	simm.s32 $0x1000  }
0x7: {  	s17 =	simm.s32 $0x6400;
	s18 =	simm.s32 $0x8400;
	s19 =	simm.s32 $0x1  }
0x8: {  	s20 =	simm.s32 $0xA400;
	s21 =	simm.s32 $0x3;
	s22 =	simm.s32 $0xC600  }
0x9: {  	s23 =	simm.s32 $0x2;
	s6 =	sand.u32 $0x1, s5;
	s7 =	sshll.u32 s0, $0x1  }
0xa: {  	s24 =	simm.s32 $0x0;
	s5 =	simm.s32 $0x0;
	s9 =	sor.u32 s6, s7  }
0xb: {  	v0 =	vlaneseq.u32;
	[smem:$0x7FF] =	sst s5;
	s10 =	ssub.s32 $0x2, s6;
	s6 =	sadd.s32 $0xF42C00, s2  }
0xc: {  	v0 =	vmul.u32 $0x88, v0;
	s7 =	sshll.u32 s9, $0x4;
	_ =	strace $0x80000047;
	s31 =	sshrl.u32 s10, $0x1  }
0xd: {  	v1 =	vimm.s32 $0xF;
	s8 =	sadd.s32 s7, s2;
	s7 =	sadd.s32 $0x19800, s2;
	s2 =	ssub.s32 s10, s31  }
0xe: {  	s9 =	sshll.u32 s9, $0xA;
	v2 =	vadd.s32 $0x880, v0;
	v3 =	vadd.s32 $0x1100, v0;
	v4 =	vadd.s32 $0x1980, v0;
	s8 =	sadd.s32 $0x800, s8;
	s10 =	smax.u32 s2, $0x1  }
.LBB2_1:
0xf: {  	[tilespmem:s11], [sflag:$0x4] =	stream.linear.gather [hbm4b:s7+s5], $0x3200, $0x38;
	[tilespmem:$0x11A80] =	vst v63  }
0x10: {  	_ =	swait.ge [sflag:s12], $0x3200  }
0x11: {  	[sflag:s12] =	ssyncset.done $0x0  }
0x12: {  	[sflag:s12] =	ssyncadd.s32 $0xFFFFCE00  }
0x13: {  	[tilespmem:s13], [sflag:$0x4] =	stream.linear.gather [hbm4b:s1+s5], $0x40, $0x38;
	[tilespmem:$0x11A80] =	vst v63  }
0x14: {  	_ =	swait.ge [sflag:s12], $0x40  }
0x15: {  	[sflag:s12] =	ssyncset.done $0x0  }
0x16: {  	[sflag:s12] =	ssyncadd.s32 $0xFFFFFFC0  }
0x17: {  	[tilespmem:s14], [sflag:$0x4] =	stream.linear.gather [hbm4b:s3+s5], $0x40, $0x38;
	[tilespmem:$0x11A80] =	vst v63  }
0x18: {  	_ =	swait.ge [sflag:s12], $0x40  }
0x19: {  	[sflag:s12] =	ssyncset.done $0x0  }
0x1a: {  	[sflag:s12] =	ssyncadd.s32 $0xFFFFFFC0  }
0x1b: {  	[tilespmem:s5], [sflag:$0x4] =	stream.strided.gather [hbm4b:s8+s15], $0x6400, s16, s15, $0x38;
	[tilespmem:$0x11A80] =	vst v63  }
0x1c: {  	_ =	swait.ge [sflag:s12], $0x6400  }
0x1d: {  	[sflag:s12] =	ssyncset.done $0x0  }
0x1e: {  	[sflag:s12] =	ssyncadd.s32 $0xFFFF9C00  }
0x1f: {  	v5 =	vld [tilespmem:$0x11A00]  }
0x20: {  	v6 =	vld [tilespmem:$0x11A10]  }
0x21: {  	v7 =	vld [tilespmem:$0x11A20]  }
0x22: {  	v8 =	vld [tilespmem:$0x11A30]  }
0x23: {  	v9 =	vld [tilespmem:$0x11A40]  }
0x24: {  	v10 =	vld [tilespmem:$0x11A50]  }
0x25: {  	s25 =	simm.s32 $0x0;
	v11 =	vld [tilespmem:$0x11A60]  }
0x26: {  	v12 =	vld [tilespmem:$0x11A70];
	[tilespmem:s17], [sflag:$0x1] =	stream.indirect.gather [hbm4b:s6+s15], $0x40, s5, s15, $0xb8  }
.LBB2_2:
0x27: {  	s26 =	sshllo.u32 s25, $0x1  }
0x28: {  	s2 =	sshll.u32 s26, $0x7  }
0x29: {  	s2 =	sand.u32 $0x3FFFFF80, s2  }
0x2a: {  	[tilespmem:s18], [sflag:$0x1] =	stream.indirect.gather [hbm4b:s6+s15], $0x40, s2, s15, $0xb8;
	[tilespmem:$0x11A80] =	vst v63  }
0x2b: {  	_ =	swait.ge [sflag:s19], $0x2000  }
0x2c: {  	p0 =	seq.s32 s25, $0x0;
	[sflag:s19] =	ssyncset.done $0x0  }
0x2d: {  	s2 =	simm.s32 @!p0 $0x2;
	[sflag:s19] =	ssyncadd.s32 $0xFFFFE000  }
0x2e: {  	_ =	swait.ge @!p0 [sflag:s2], $0x2000  }
0x2f: {  	s28 =	sshll.u32 s25, $0x7;
	[sflag:s2] =	ssyncset.done @!p0 $0x0  }
0x30: {  	s0 =	sand.u32 $0x3FFFFF80, s28;
	[sflag:s2] =	ssyncadd.s32 @!p0 $0xFFFFE000  }
0x31: {  	v15 =	vld [tilespmem:s0+$0xE800]  }
0x32: {  	v16 =	vld [tilespmem:s0+$0xE810]  }
0x33: {  	s28 =	simm.s32 $0x6440;
	v13 =	vld [tilespmem:s0+$0xE820]  }
0x34: {  	v17 =	vld [tilespmem:s28+$0x0]  }
0x35: {  	v18 =	vld [tilespmem:s28+$0x10]  }
0x36: {  	v19 =	vld [tilespmem:s28+$0x20]  }
0x37: {  	v14 =	vld [tilespmem:s0+$0xE830]  }
0x38: {  	v20 =	vld [tilespmem:s28+$0x30];
	_ =	sdelay $0x1  }
0x39: {  	v17 =	vadd.f32 v17, v15;
	v18 =	vadd.f32 v18, v16  }
0x3a: {  	v21 =	vadd.f32 v19, v13  }
0x3b: {  	v19 =	vadd.f32 v18, v17;
	v22 =	vmul.f32 v17, v17;
	v23 =	vmul.f32 v18, v18  }
0x3c: {  	v25 =	vadd.f32 v20, v14  }
0x3d: {  	v19 =	vadd.f32 v21, v19;
	v20 =	vadd.f32 v23, v22;
	v22 =	vmul.f32 v21, v21;
	_ =	sdelay $0x1  }
0x3e: {  	v19 =	vadd.f32 v25, v19;
	v20 =	vadd.f32 v22, v20;
	v22 =	vmul.f32 v25, v25;
	_ =	sdelay $0x1  }
0x3f: {  	(xrf2) =	vadd.scan.msk.f32 $0xffff, v19;
	v19 =	vadd.f32 v22, v20;
	_ =	sdelay $0x1  }
0x40: {  	(xrf2) =	vadd.scan.msk.f32 $0xffff, v19;
	_ =	sdelay $0x1  }
0x41: {  	v20 =	vld [tilespmem:s28+$0xFFFFFFC0]  }
0x42: {  	v19 =	vld [tilespmem:s28+$0xFFFFFFD0];
	_ =	sdelay $0x1  }
0x43: {  	v22 =	vld [tilespmem:s28+$0xFFFFFFE0]  }
0x44: {  	v23 =	vld [tilespmem:s28+$0xFFFFFFF0];
	_ =	sdelay $0x1  }
0x45: {  	v34 =	vadd.f32 v20, v15;
	v31 =	vadd.f32 v19, v16;
	v19, _, _ =	vpop (xrf2)  }
0x46: {  	v19 =	vperm.xlane v19, v1  }
0x47: {  	v30 =	vadd.f32 v22, v13;
	v20 =	vadd.f32 v31, v34;
	v24, _, _ =	vpop (xrf2)  }
0x48: {  	v33 =	vadd.f32 v23, v14;
	v26 =	vmul.f32 $1.562500000e-02, v19;
	v19 =	vperm.xlane v24, v1  }
0x49: {  	v22 =	vmul.f32 v31, v31;
	v20 =	vadd.f32 v30, v20;
	v24 =	vmul.f32 v34, v34  }
0x4a: {  	s0 =	simm.s32 $0x64C0;
	v19 =	vmul.f32 $1.562500000e-02, v19;
	v23 =	vmul.f32 v26, v26  }
0x4b: {  	v27 =	vld [tilespmem:s0+$0x0];
	v20 =	vadd.f32 v33, v20;
	v22 =	vadd.f32 v22, v24;
	v24 =	vmul.f32 v30, v30  }
0x4c: {  	v19 =	vsub.f32 v19, v23;
	v23 =	vld [tilespmem:s0+$0x10]  }
0x4d: {  	v28 =	vld [tilespmem:s0+$0x20];
	(xrf2) =	vadd.scan.msk.f32 $0xffff, v20;
	v22 =	vadd.f32 v24, v22;
	v24 =	vmul.f32 v33, v33  }
0x4e: {  	v19 =	vadd.f32 $9.999999960e-13, v19  }
0x4f: {  	v20 =	vadd.f32 v24, v22;
	v22 =	vld [tilespmem:s0+$0x30]  }
0x50: {  	v24 =	vshra.s32 v19, $0x1;
	v19 =	vmul.f32 $5.000000000e-01, v19  }
0x51: {  	v37 =	vadd.f32 v27, v15;
	(xrf2) =	vadd.scan.msk.f32 $0xffff, v20;
	v20 =	vsub.s32 $0x5F3759DF, v24;
	v36 =	vadd.f32 v23, v16  }
0x52: {  	v32 =	vadd.f32 v28, v13;
	v23 =	vmul.f32 v20, v19  }
0x53: {  	v27 =	vmul.f32 v37, v37;
	v24 =	vadd.f32 v36, v37;
	v28 =	vmul.f32 v36, v36  }
0x54: {  	v35 =	vadd.f32 v22, v14;
	v23 =	vmul.f32 v20, v23  }
0x55: {  	v22 =	vadd.f32 v32, v24;
	v24 =	vadd.f32 v28, v27;
	v27 =	vmul.f32 v32, v32  }
0x56: {  	v29 =	vld [tilespmem:s0+$0xFFFFFFC0];
	v23 =	vsub.f32 $1.500000000e+00, v23  }
0x57: {  	v38, _, _ =	vpop (xrf2);
	v28 =	vld [tilespmem:s0+$0xFFFFFFD0];
	v22 =	vadd.f32 v35, v22;
	v24 =	vadd.f32 v27, v24;
	v27 =	vmul.f32 v35, v35  }
0x58: {  	v38 =	vperm.xlane v38, v1  }
0x59: {  	v39 =	vld [tilespmem:s0+$0xFFFFFFE0];
	v23 =	vmul.f32 v20, v23;
	(xrf2) =	vadd.scan.msk.f32 $0xffff, v22;
	v20 =	vadd.f32 v27, v24  }
0x5a: {  	v38 =	vmul.f32 $1.562500000e-02, v38;
	v27 =	vld [tilespmem:s0+$0xFFFFFFF0]  }
0x5b: {  	v24 =	vadd.f32 v29, v15;
	v40 =	vmul.f32 v23, v19;
	v22, _, _ =	vpop (xrf2);
	(xrf2) =	vadd.scan.msk.f32 $0xffff, v20  }
0x5c: {  	v19 =	vadd.f32 v28, v16;
	v28 =	vmul.f32 v38, v38;
	v20 =	vperm.xlane v22, v1  }
0x5d: {  	v41 =	vmul.f32 v24, v24;
	v22 =	vmul.f32 v40, v23  }
0x5e: {  	v52 =	vadd.f32 v19, v24;
	v29 =	vmul.f32 $1.562500000e-02, v20;
	v20 =	vadd.f32 v39, v13  }
0x5f: {  	v53 =	vmul.f32 v19, v19;
	v42 =	vsub.f32 $1.500000000e+00, v22;
	v22 =	vadd.f32 v27, v14  }
0x60: {  	v27 =	vadd.f32 v20, v52;
	v28 =	vsub.f32 v29, v28  }
0x61: {  	s0 =	simm.s32 $0x1;
	v29 =	vadd.f32 v53, v41;
	v54 =	vmul.f32 v20, v20;
	v23 =	vmul.f32 v42, v23  }
0x62: {  	v60 =	vmov s0;
	v56 =	vmul.f32 v22, v22;
	v27 =	vadd.f32 v22, v27  }
0x63: {  	v28 =	vadd.f32 $9.999999960e-13, v28;
	v29 =	vadd.f32 v54, v29;
	v26 =	vmul.f32 v23, v26;
	v55, _, _ =	vpop (xrf2)  }
0x64: {  	v61 =	vand.u32 $0x7F, v60;
	v17 =	vmul.f32 v23, v17;
	(xrf2) =	vadd.scan.msk.f32 $0xffff, v27;
	v27 =	vperm.xlane v55, v1  }
0x65: {  	v57 =	vshra.s32 v28, $0x1;
	v28 =	vmul.f32 $5.000000000e-01, v28;
	v29 =	vadd.f32 v56, v29;
	v58, _, _ =	vpop (xrf2)  }
0x66: {  	v39 =	vsub.s32 $0x5F3759DF, v57;
	v41 =	vmul.f32 $1.562500000e-02, v27;
	v27 =	vperm.xlane v58, v1  }
0x67: {  	v43 =	vadd.s32 v2, v61;
	v18 =	vmul.f32 v23, v18;
	(xrf2) =	vadd.scan.msk.f32 $0xffff, v29;
	v29 =	vmul.f32 v39, v28  }
0x68: {  	v47 =	vadd.s32 v3, v61;
	v27 =	vmul.f32 $1.562500000e-02, v27;
	v59 =	vmul.f32 v41, v41  }
0x69: {  	v21 =	vmul.f32 v23, v21;
	v17 =	vsub.f32 v17, v26;
	v29 =	vmul.f32 v39, v29  }
0x6a: {  	v23 =	vmul.f32 v23, v25;
	v18 =	vsub.f32 v18, v26;
	v27 =	vsub.f32 v27, v59  }
0x6b: {  	s0 =	simm.s32 $0x6540;
	v40 =	vadd.s32 v4, v61;
	v21 =	vsub.f32 v21, v26;
	v29 =	vsub.f32 $1.500000000e+00, v29  }
0x6c: {  	v23 =	vsub.f32 v23, v26;
	v26 =	vld [tilespmem:s0+$0x20];
	v17 =	vmul.f32 v17, v5;
	v25 =	vadd.f32 $9.999999960e-13, v27  }
0x6d: {  	v42 =	vadd.s32 v0, v61;
	v46 =	vmul.f32 v18, v6;
	v39 =	vmul.f32 v39, v29  }
0x6e: {  	v48 =	vld [tilespmem:s0+$0xFFFFFFD0];
	v21 =	vmul.f32 v21, v7;
	v27, _, _ =	vpop (xrf2);
	v29 =	vshra.s32 v25, $0x1;
	v44 =	vmul.f32 $5.000000000e-01, v25  }
0x6f: {  	v18 =	vld [tilespmem:s0+$0x10];
	v28 =	vmul.f32 v39, v28;
	v25 =	vperm.xlane v27, v1;
	v45 =	vsub.s32 $0x5F3759DF, v29  }
0x70: {  	v23 =	vmul.f32 v23, v8;
	v50 =	vadd.f32 v17, v9;
	v27 =	vld [tilespmem:s0+$0x0];
	v29 =	vmul.f32 v45, v44  }
0x71: {  	v52 =	vld [tilespmem:s0+$0xFFFFFFC0];
	v26 =	vadd.f32 v26, v13;
	v49, _, _ =	vpop (xrf2);
	v28 =	vmul.f32 v28, v39;
	v25 =	vmul.f32 $1.562500000e-02, v25  }
0x72: {  	v46 =	vadd.f32 v46, v10;
	v49 =	vperm.xlane v49, v1;
	v29 =	vmul.f32 v45, v29  }
0x73: {  	v56 =	vadd.f32 v21, v11;
	v59 =	vmul.f32 v26, v26;
	v17 =	vsub.f32 $1.500000000e+00, v28  }
0x74: {  	v28 =	vld [tilespmem:s0+$0x30];
	v51 =	vmul.f32 v25, v25;
	v49 =	vmul.f32 $1.562500000e-02, v49;
	v53 =	vsub.f32 $1.500000000e+00, v29  }
0x75: {  	v29 =	vadd.f32 v27, v15;
	v27 =	vadd.f32 v18, v16;
	v39 =	vmul.f32 v17, v39  }
0x76: {  	v54 =	vld [tilespmem:s0+$0xFFFFFFE0];
	v17 =	vadd.f32 v48, v16;
	v18 =	vadd.f32 v52, v15;
	v45 =	vmul.f32 v45, v53  }
0x77: {  	v48 =	vsub.f32 v49, v51;
	v63 =	vmul.f32 v29, v29;
	v57 =	vmul.f32 v27, v27  }
0x78: {  	v62 =	vadd.f32 v27, v29;
	v58 =	vmul.f32 v17, v17;
	v55 =	vmul.f32 v18, v18  }
0x79: {  	v38 =	vmul.f32 v39, v38;
	v34 =	vmul.f32 v39, v34;
	v28 =	vadd.f32 v28, v14  }
0x7a: {  	v31 =	vmul.f32 v39, v31;
	v51 =	vadd.f32 v57, v63;
	v49 =	vadd.f32 v26, v62  }
0x7b: {  	v21 =	vadd.f32 v54, v13;
	v30 =	vmul.f32 v39, v30;
	v44 =	vmul.f32 v45, v44  }
0x7c: {  	v60 =	vld [tilespmem:s0+$0xFFFFFFF0];
	v61 =	vmul.f32 v28, v28;
	v51 =	vadd.f32 v59, v51;
	v49 =	vadd.f32 v28, v49  }
0x7d: {  	v48 =	vadd.f32 $9.999999960e-13, v48;
	v53 =	vadd.f32 v58, v55;
	v44 =	vmul.f32 v44, v45  }
0x7e: {  	s0 =	simm.s32 $0x0;
	v33 =	vmul.f32 v39, v33;
	v63 =	vadd.f32 v17, v18;
	v51 =	vadd.f32 v61, v51;
	(xrf2) =	vadd.scan.msk.f32 $0xffff, v49  }
0x7f: {  	v62 =	vmov s0;
	v34 =	vsub.f32 v34, v38;
	v44 =	vsub.f32 $1.500000000e+00, v44  }
0x80: {  	v57 =	vmul.f32 v21, v21;
	v30 =	vsub.f32 v30, v38;
	v49 =	vadd.f32 v23, v12;
	(xrf2) =	vadd.scan.msk.f32 $0xffff, v51  }
0x81: {  	s0 =	simm.s32 $0x3;
	v23 =	vadd.f32 v60, v14;
	v44 =	vmul.f32 v44, v45;
	v45 =	vadd.f32 v21, v63  }
0x82: {  	v33 =	vsub.f32 v33, v38;
	v54 =	vand.u32 $0x7E, v62;
	v59 =	vmov s0  }
0x83: {  	[tilespmem:v42+s20+$0x0] =	vst.idx.msk $0xffff, v50;
	v62 =	vadd.f32 v57, v53;
	v57 =	vshra.s32 v48, $0x1;
	v58 =	vadd.f32 v23, v45  }
0x84: {  	[tilespmem:v43+s20+$0x0] =	vst.idx.msk $0xffff, v46;
	v48 =	vmul.f32 $5.000000000e-01, v48;
	v30 =	vmul.f32 v30, v7;
	v60 =	vand.u32 $0x7F, v59  }
0x85: {  	v33 =	vmul.f32 v33, v8;
	v59 =	vsub.s32 $0x5F3759DF, v57;
	v42 =	vadd.s32 v0, v60;
	(xrf2) =	vadd.scan.msk.f32 $0xffff, v58  }
0x86: {  	v46 =	vadd.s32 v3, v60;
	v41 =	vmul.f32 v44, v41;
	v32 =	vmul.f32 v44, v32  }
0x87: {  	v43 =	vadd.s32 v4, v60;
	v55 =	vmul.f32 v23, v23;
	v37 =	vmul.f32 v44, v37  }
0x88: {  	v36 =	vmul.f32 v44, v36;
	v35 =	vmul.f32 v44, v35;
	v32 =	vsub.f32 v32, v41;
	v63, _, _ =	vpop (xrf2)  }
0x89: {  	v44 =	vadd.s32 v2, v60;
	v51 =	vadd.f32 v55, v62;
	v50 =	vperm.xlane v63, v1  }
0x8a: {  	v37 =	vsub.f32 v37, v41;
	v36 =	vsub.f32 v36, v41;
	v61 =	vmul.f32 v32, v7;
	v58, _, _ =	vpop (xrf2)  }
0x8b: {  	[tilespmem:v47+s20+$0x0] =	vst.idx.msk $0xffff, v56;
	v35 =	vsub.f32 v35, v41;
	v32 =	vmul.f32 $1.562500000e-02, v50;
	v60 =	vperm.xlane v58, v1  }
0x8c: {  	v37 =	vmul.f32 v37, v5;
	v41 =	vadd.f32 v61, v11;
	v61 =	vmul.f32 v59, v48;
	(xrf2) =	vadd.scan.msk.f32 $0xffff, v51  }
0x8d: {  	[tilespmem:v40+s20+$0x0] =	vst.idx.msk $0xffff, v49;
	v45 =	vadd.s32 v0, v54;
	v47 =	vmul.f32 $1.562500000e-02, v60;
	v50 =	vmul.f32 v32, v32  }
0x8e: {  	v36 =	vmul.f32 v36, v6;
	v37 =	vadd.f32 v37, v9;
	v49 =	vmul.f32 v59, v61  }
0x8f: {  	v35 =	vmul.f32 v35, v8;
	v63 =	vsub.f32 v31, v38;
	v62, _, _ =	vpop (xrf2);
	v47 =	vsub.f32 v47, v50  }
0x90: {  	v36 =	vadd.f32 v36, v10;
	v49 =	vsub.f32 $1.500000000e+00, v49;
	v52 =	vperm.xlane v62, v1  }
0x91: {  	v35 =	vadd.f32 v35, v12;
	[tilespmem:v42+s20+$0x0] =	vst.idx.msk $0xffff, v37;
	v56 =	vmul.f32 v63, v6;
	v55 =	vadd.f32 $9.999999960e-13, v47  }
0x92: {  	v51 =	vadd.s32 v2, v54;
	[tilespmem:v44+s20+$0x0] =	vst.idx.msk $0xffff, v36;
	v40 =	vmul.f32 v59, v49;
	v31 =	vmul.f32 $1.562500000e-02, v52  }
0x93: {  	s30 =	simm.s32 $0x65C0;
	[tilespmem:v46+s20+$0x0] =	vst.idx.msk $0xffff, v41;
	v52 =	vmul.f32 v34, v5;
	v57 =	vshra.s32 v55, $0x1;
	v41 =	vmul.f32 $5.000000000e-01, v55  }
0x94: {  	[tilespmem:v43+s20+$0x0] =	vst.idx.msk $0xffff, v35;
	v35 =	vld [tilespmem:s30+$0x10];
	v50 =	vadd.s32 v3, v54;
	v58 =	vmul.f32 v40, v48;
	v42 =	vsub.s32 $0x5F3759DF, v57  }
0x95: {  	v33 =	vadd.f32 v33, v12;
	v34 =	vld [tilespmem:s30+$0x0];
	v36 =	vadd.f32 v52, v9;
	v59 =	vmul.f32 v42, v41  }
0x96: {  	s0 =	simm.s32 $0x2;
	v60 =	vadd.f32 v56, v10;
	v43 =	vld [tilespmem:s30+$0xFFFFFFD0];
	v62 =	vadd.f32 v30, v11;
	v61, _, _ =	vpop (xrf2);
	v37 =	vmul.f32 v58, v40  }
0x97: {  	v46 =	vld [tilespmem:s30+$0x20];
	v30 =	vmov s0;
	v63 =	vperm.xlane v61, v1;
	[tilespmem:v45+s20+$0x0] =	vst.idx.msk $0xffff, v36;
	v38 =	vmul.f32 v42, v59  }
0x98: {  	v44 =	vld [tilespmem:s30+$0xFFFFFFC0];
	v30 =	vand.u32 $0x7E, v30;
	v39 =	vmul.f32 v31, v31;
	v45 =	vsub.f32 $1.500000000e+00, v37;
	[tilespmem:v51+s20+$0x0] =	vst.idx.msk $0xffff, v60  }
0x99: {  	s29 =	simm.s32 $0x4;
	s31 =	simm.s32 $0x8;
	s28 =	simm.s32 $0x6;
	v48 =	vld [tilespmem:s30+$0x30];
	v47 =	vmul.f32 $1.562500000e-02, v63;
	v37 =	vadd.s32 v4, v54;
	[tilespmem:v50+s20+$0x0] =	vst.idx.msk $0xffff, v62;
	v49 =	vsub.f32 $1.500000000e+00, v38  }
.LBB2_3:
0x9a: {  	p1 =	slt.u32 s31, $0x7E;
	v36 =	vld [tilespmem:s30+$0xFFFFFFE0];
	v34 =	vadd.f32 v34, v15;
	v35 =	vadd.f32 v35, v16;
	v38 =	vmul.f32 v45, v40  }
0x9b: {  	v40 =	vadd.f32 v43, v16;
	v43 =	vld [tilespmem:s30+$0xFFFFFFF0];
	v39 =	vsub.f32 v47, v39;
	v42 =	vmul.f32 v42, v49  }
0x9c: {  	v45 =	vadd.f32 v46, v13;
	v46 =	vadd.f32 v35, v34;
	v47 =	vmul.f32 v34, v34  }
0x9d: {  	v49 =	vmul.f32 v35, v35;
	v44 =	vadd.f32 v44, v15;
	v41 =	vmul.f32 v42, v41  }
0x9e: {  	v50 =	vmul.f32 v40, v40;
	v48 =	vadd.f32 v48, v14;
	v46 =	vadd.f32 v45, v46  }
0x9f: {  	v47 =	vadd.f32 v49, v47;
	v49 =	vmul.f32 v45, v45;
	v41 =	vmul.f32 v41, v42  }
0xa0: {  	v51 =	vadd.f32 v40, v44;
	v52 =	vmul.f32 v44, v44;
	v46 =	vadd.f32 v48, v46  }
0xa1: {  	v47 =	vadd.f32 v49, v47;
	v49 =	vmul.f32 v48, v48;
	v41 =	vsub.f32 $1.500000000e+00, v41;
	[tilespmem:v37+s20+$0x0] =	vst.idx.msk $0xffff, v33  }
0xa2: {  	v33 =	vadd.f32 v36, v13;
	v36 =	vadd.f32 v50, v52;
	v37 =	vmul.f32 v38, v25;
	(xrf2) =	vadd.scan.msk.f32 $0xffff, v46  }
0xa3: {  	v43 =	vadd.f32 v43, v14;
	v25 =	vmovc v31;
	v46 =	vadd.f32 v49, v47;
	v41 =	vmul.f32 v41, v42  }
0xa4: {  	v39 =	vadd.f32 $9.999999960e-13, v39;
	v31 =	vadd.f32 v33, v51;
	v42 =	vmul.f32 v33, v33  }
0xa5: {  	s2 =	sadd.s32 $0x1, s29;
	v47 =	vadd.s32 v0, v30;
	(xrf2) =	vadd.scan.msk.f32 $0xffff, v46;
	v32 =	vmul.f32 v41, v32;
	v46 =	vmul.f32 v41, v29  }
0xa6: {  	v49 =	vmov s2;
	v31 =	vadd.f32 v43, v31;
	v50 =	vmul.f32 v41, v27;
	v29 =	vmovc v34;
	v27 =	vmovc v35  }
0xa7: {  	v35 =	vand.u32 $0x7F, v49;
	v34 =	vsub.f32 v46, v32;
	v46 =	vmul.f32 v41, v26;
	v26 =	vmovc v45  }
0xa8: {  	v45 =	vsub.f32 v50, v32;
	v41 =	vmul.f32 v41, v28;
	(xrf2) =	vadd.scan.msk.f32 $0xffff, v31;
	v31 =	vadd.s32 v0, v35  }
0xa9: {  	v49 =	vadd.s32 v2, v35;
	v28 =	vmovc v48;
	v34 =	vmul.f32 v34, v5;
	v46 =	vsub.f32 v46, v32  }
0xaa: {  	v48 =	vadd.s32 v3, v35;
	v45 =	vmul.f32 v45, v6;
	v32 =	vsub.f32 v41, v32  }
0xab: {  	v35 =	vadd.s32 v4, v35;
	v34 =	vadd.f32 v34, v9;
	v41 =	vmul.f32 v46, v7  }
0xac: {  	v36 =	vadd.f32 v42, v36;
	v45 =	vadd.f32 v45, v10;
	v32 =	vmul.f32 v32, v8;
	v42, _, _ =	vpop (xrf2)  }
0xad: {  	v50 =	vshra.s32 v39, $0x1;
	v46 =	vmul.f32 v43, v43;
	[tilespmem:v31+s20+$0x0] =	vst.idx.msk $0xffff, v34;
	v31 =	vadd.f32 v41, v11  }
0xae: {  	v51 =	vmul.f32 $5.000000000e-01, v39;
	v34 =	vperm.xlane v42, v1;
	v39 =	vadd.f32 v32, v12;
	[tilespmem:v49+s20+$0x0] =	vst.idx.msk $0xffff, v45  }
0xaf: {  	v24 =	vmul.f32 v38, v24;
	v42 =	vsub.s32 $0x5F3759DF, v50;
	v45 =	vadd.f32 v46, v36;
	v41, _, _ =	vpop (xrf2);
	[tilespmem:v48+s20+$0x0] =	vst.idx.msk $0xffff, v31  }
0xb0: {  	v32 =	vmul.f32 $1.562500000e-02, v34;
	v48 =	vadd.s32 v2, v30;
	v31 =	vperm.xlane v41, v1;
	[tilespmem:v35+s20+$0x0] =	vst.idx.msk $0xffff, v39  }
0xb1: {  	v24 =	vsub.f32 v24, v37;
	v34 =	vmul.f32 v42, v51;
	v41 =	vmul.f32 v38, v19;
	(xrf2) =	vadd.scan.msk.f32 $0xffff, v45  }
0xb2: {  	v50 =	vadd.s32 v3, v30;
	v35 =	vmul.f32 v32, v32;
	v31 =	vmul.f32 $1.562500000e-02, v31;
	v36, _, _ =	vpop (xrf2)  }
0xb3: {  	v19 =	vmovc v17;
	v34 =	vmul.f32 v42, v34;
	v39 =	vsub.f32 v41, v37;
	v36 =	vperm.xlane v36, v1  }
0xb4: {  	v17 =	vmovc v40;
	v45 =	vmul.f32 v38, v22;
	v41 =	vmul.f32 v38, v20;
	v35 =	vsub.f32 v31, v35  }
0xb5: {  	v34 =	vsub.f32 $1.500000000e+00, v34;
	v31 =	vmul.f32 $1.562500000e-02, v36;
	v36 =	vmul.f32 v24, v5;
	v24 =	vmovc v18;
	v18 =	vmovc v44  }
0xb6: {  	v20 =	vmovc v21;
	v21 =	vmovc v33;
	v38 =	vmul.f32 v39, v6;
	v44 =	vsub.f32 v41, v37;
	v35 =	vadd.f32 $9.999999960e-13, v35  }
0xb7: {  	v22 =	vmovc v23;
	v33 =	vsub.f32 v45, v37;
	v40 =	vmul.f32 v42, v34;
	v39 =	vmul.f32 v31, v31  }
0xb8: {  	s30 =	sadd.s32 $0x80, s30;
	v23 =	vmovc v43;
	v44 =	vmul.f32 v44, v7;
	v37 =	vshra.s32 v35, $0x1;
	v41 =	vmul.f32 $5.000000000e-01, v35  }
0xb9: {  	v33 =	vmul.f32 v33, v8;
	v34 =	vld [tilespmem:s30+$0x0];
	v42 =	vsub.s32 $0x5F3759DF, v37;
	v37 =	vmul.f32 v40, v51  }
.Ltmp0:
0xba: {  	v38 =	vadd.f32 v38, v10;
	v36 =	vadd.f32 v36, v9;
	v35 =	vld [tilespmem:s30+$0x10];
	v45 =	vmul.f32 v42, v41;
	(pc) =	sbr.rel @p1 .LBB2_3-.Ltmp0, $4  }
0xbb: {  	v33 =	vadd.f32 v33, v12;
	v51 =	vadd.f32 v44, v11;
	v43 =	vld [tilespmem:s30+$0xFFFFFFD0];
	v49, _, _ =	vpop (xrf2);
	v37 =	vmul.f32 v37, v40  }
0xbc: {  	v53 =	vmov s29;
	s29 =	smov.u32 s28;
	s28 =	smov.u32 s31;
	v46 =	vld [tilespmem:s30+$0x20];
	v49 =	vperm.xlane v49, v1;
	v52 =	vmul.f32 v42, v45;
	[tilespmem:v47+s20+$0x0] =	vst.idx.msk $0xffff, v36  }
0xbd: {  	v36 =	vand.u32 $0x7E, v53;
	v44 =	vld [tilespmem:s30+$0xFFFFFFC0];
	v45 =	vsub.f32 $1.500000000e+00, v37;
	[tilespmem:v48+s20+$0x0] =	vst.idx.msk $0xffff, v38  }
0xbe: {  	s31 =	sadd.s32 $0x2, s31;
	v37 =	vadd.s32 v4, v30;
	v30 =	vmovc v36;
	v48 =	vld [tilespmem:s30+$0x30];
	v47 =	vmul.f32 $1.562500000e-02, v49;
	v49 =	vsub.f32 $1.500000000e+00, v52;
	[tilespmem:v50+s20+$0x0] =	vst.idx.msk $0xffff, v51  }
0xbf: {  	_ = 	snop  }
0xc0: {  	v38 =	vadd.f32 v34, v15;
	v36 =	vadd.f32 v35, v16;
	v40 =	vmul.f32 v45, v40  }
0xc1: {  	v42 =	vmul.f32 v42, v49;
	v16 =	vadd.f32 v43, v16;
	v34 =	vadd.f32 v46, v13  }
0xc2: {  	v62 =	vadd.f32 v36, v38;
	v50 =	vmul.f32 v38, v38;
	v51 =	vmul.f32 v36, v36  }
0xc3: {  	v25 =	vmul.f32 v40, v25;
	v24 =	vmul.f32 v40, v24;
	v35 =	vadd.f32 v48, v14  }
0xc4: {  	v46 =	vadd.f32 v34, v62;
	v63 =	vadd.f32 v51, v50;
	v52 =	vmul.f32 v34, v34  }
0xc5: {  	v55 =	vld [tilespmem:s30+$0xFFFFFFE0];
	v39 =	vsub.f32 v47, v39;
	v19 =	vmul.f32 v40, v19;
	v20 =	vmul.f32 v40, v20  }
0xc6: {  	v56 =	vld [tilespmem:s30+$0xFFFFFFF0];
	v46 =	vadd.f32 v35, v46;
	v48 =	vadd.f32 v52, v63;
	v53 =	vmul.f32 v35, v35  }
0xc7: {  	v22 =	vmul.f32 v40, v22;
	v15 =	vadd.f32 v44, v15;
	v39 =	vadd.f32 $9.999999960e-13, v39  }
0xc8: {  	v41 =	vmul.f32 v42, v41;
	v24 =	vsub.f32 v24, v25;
	(xrf2) =	vadd.scan.msk.f32 $0xffff, v46;
	v54 =	vadd.f32 v53, v48  }
0xc9: {  	v57 =	vmul.f32 v16, v16;
	v19 =	vsub.f32 v19, v25;
	v20 =	vsub.f32 v20, v25  }
0xca: {  	v22 =	vsub.f32 v22, v25;
	v41 =	vmul.f32 v41, v42;
	v59 =	vadd.f32 v16, v15;
	(xrf2) =	vadd.scan.msk.f32 $0xffff, v54  }
0xcb: {  	v58 =	vmul.f32 v15, v15;
	v13 =	vadd.f32 v55, v13;
	v14 =	vadd.f32 v56, v14  }
0xcc: {  	s2 =	sadd.s32 $0x1, s29;
	v56 =	vshra.s32 v39, $0x1;
	v39 =	vmul.f32 $5.000000000e-01, v39;
	v24 =	vmul.f32 v24, v5  }
0xcd: {  	v63 =	vmov s2;
	v19 =	vmul.f32 v19, v6;
	v20 =	vmul.f32 v20, v7  }
0xce: {  	v22 =	vmul.f32 v22, v8;
	v41 =	vsub.f32 $1.500000000e+00, v41;
	v60 =	vadd.f32 v13, v59  }
0xcf: {  	v44 =	vadd.f32 v57, v58;
	v61 =	vmul.f32 v13, v13;
	v47 =	vand.u32 $0x7F, v63  }
0xd0: {  	v55 =	vmul.f32 v14, v14;
	v41 =	vmul.f32 v41, v42;
	v42 =	vadd.f32 v14, v60  }
0xd1: {  	v46 =	vadd.s32 v0, v30;
	v43 =	vadd.f32 v61, v44;
	v44 =	vsub.s32 $0x5F3759DF, v56  }
0xd2: {  	v49 =	vadd.s32 v0, v47;
	v24 =	vadd.f32 v24, v9;
	v58 =	vmul.f32 v44, v39;
	v62, _, _ =	vpop (xrf2);
	(xrf2) =	vadd.scan.msk.f32 $0xffff, v42  }
0xd3: {  	v32 =	vmul.f32 v41, v32;
	v43 =	vadd.f32 v55, v43;
	v45 =	vperm.xlane v62, v1  }
0xd4: {  	v19 =	vadd.f32 v19, v10;
	v29 =	vmul.f32 v41, v29;
	v27 =	vmul.f32 v41, v27;
	v52, _, _ =	vpop (xrf2)  }
0xd5: {  	v20 =	vadd.f32 v20, v11;
	(xrf2) =	vadd.scan.msk.f32 $0xffff, v43;
	v45 =	vmul.f32 $1.562500000e-02, v45;
	v48 =	vperm.xlane v52, v1  }
0xd6: {  	v22 =	vadd.f32 v22, v12;
	v26 =	vmul.f32 v41, v26;
	v28 =	vmul.f32 v41, v28  }
0xd7: {  	v29 =	vsub.f32 v29, v32;
	v53 =	vmul.f32 $1.562500000e-02, v48;
	v54 =	vmul.f32 v45, v45  }
0xd8: {  	v27 =	vsub.f32 v27, v32;
	v26 =	vsub.f32 v26, v32;
	v48 =	vmul.f32 v44, v58  }
0xd9: {  	v41 =	vadd.s32 v2, v47;
	v28 =	vsub.f32 v28, v32;
	v42 =	vsub.f32 v53, v54  }
0xda: {  	v32 =	vadd.s32 v3, v47;
	v29 =	vmul.f32 v29, v5;
	v48 =	vsub.f32 $1.500000000e+00, v48  }
0xdb: {  	v27 =	vmul.f32 v27, v6;
	v26 =	vmul.f32 v26, v7;
	v42 =	vadd.f32 $9.999999960e-13, v42  }
0xdc: {  	v47 =	vadd.s32 v4, v47;
	v28 =	vmul.f32 v28, v8;
	v61 =	vmul.f32 v44, v48;
	v60, _, _ =	vpop (xrf2)  }
0xdd: {  	v57 =	vshra.s32 v42, $0x1;
	v42 =	vmul.f32 $5.000000000e-01, v42;
	v40 =	vperm.xlane v60, v1  }
0xde: {  	v29 =	vadd.f32 v29, v9;
	v39 =	vmul.f32 v61, v39;
	v43 =	vsub.s32 $0x5F3759DF, v57  }
0xdf: {  	[tilespmem:v37+s20+$0x0] =	vst.idx.msk $0xffff, v33;
	v27 =	vadd.f32 v27, v10;
	v52, _, _ =	vpop (xrf2);
	v59 =	vmul.f32 v43, v42;
	v33 =	vmul.f32 $1.562500000e-02, v40  }
0xe0: {  	v26 =	vadd.f32 v26, v11;
	v39 =	vmul.f32 v39, v61;
	v48 =	vperm.xlane v52, v1  }
0xe1: {  	[tilespmem:v49+s20+$0x0] =	vst.idx.msk $0xffff, v29;
	v50 =	vmul.f32 v43, v59;
	v63 =	vmul.f32 v33, v33  }
0xe2: {  	[tilespmem:v41+s20+$0x0] =	vst.idx.msk $0xffff, v27;
	v55 =	vsub.f32 $1.500000000e+00, v39;
	v56 =	vmul.f32 $1.562500000e-02, v48;
	v59 =	vmov s29  }
0xe3: {  	v28 =	vadd.f32 v28, v12;
	[tilespmem:v32+s20+$0x0] =	vst.idx.msk $0xffff, v26;
	v53 =	vadd.s32 v3, v30;
	v26 =	vand.u32 $0x7E, v59  }
0xe4: {  	v50 =	vsub.f32 $1.500000000e+00, v50;
	v57 =	vmul.f32 v55, v61;
	v58 =	vsub.f32 v56, v63  }
0xe5: {  	v61 =	vadd.s32 v4, v30;
	v40 =	vadd.s32 v0, v26;
	v52 =	vadd.s32 v2, v26  }
0xe6: {  	v59 =	vadd.s32 v4, v26;
	v62 =	vmul.f32 v43, v50;
	v60 =	vmul.f32 v57, v31  }
0xe7: {  	v29 =	vadd.f32 $9.999999960e-13, v58;
	v18 =	vmul.f32 v57, v18;
	v17 =	vmul.f32 v57, v17  }
0xe8: {  	v43 =	vadd.s32 v2, v30;
	v21 =	vmul.f32 v57, v21;
	v23 =	vmul.f32 v57, v23  }
0xe9: {  	v42 =	vmul.f32 v62, v42;
	v41 =	vshra.s32 v29, $0x1;
	v29 =	vmul.f32 $5.000000000e-01, v29  }
0xea: {  	[tilespmem:v46+s20+$0x0] =	vst.idx.msk $0xffff, v24;
	v18 =	vsub.f32 v18, v60;
	v17 =	vsub.f32 v17, v60;
	v37 =	vsub.s32 $0x5F3759DF, v41  }
0xeb: {  	v21 =	vsub.f32 v21, v60;
	v54 =	vmul.f32 v42, v62;
	v44 =	vmul.f32 v37, v29  }
0xec: {  	s0 =	sadd.s32 $0x1, s28;
	v23 =	vsub.f32 v23, v60;
	v18 =	vmul.f32 v18, v5;
	v17 =	vmul.f32 v17, v6  }
0xed: {  	[tilespmem:v47+s20+$0x0] =	vst.idx.msk $0xffff, v28;
	v42 =	vmov s0;
	v21 =	vmul.f32 v21, v7;
	v32 =	vmul.f32 v37, v44  }
0xee: {  	v56 =	vmul.f32 v23, v8;
	[tilespmem:v43+s20+$0x0] =	vst.idx.msk $0xffff, v19;
	v19 =	vand.u32 $0x7F, v42;
	v25 =	vsub.f32 $1.500000000e+00, v54  }
0xef: {  	[tilespmem:v53+s20+$0x0] =	vst.idx.msk $0xffff, v20;
	v46 =	vadd.s32 v2, v19;
	v47 =	vadd.s32 v3, v19;
	v48 =	vsub.f32 $1.500000000e+00, v32  }
0xf0: {  	v53 =	vadd.s32 v3, v26;
	v18 =	vadd.f32 v18, v9;
	v17 =	vadd.f32 v17, v10  }
0xf1: {  	[tilespmem:v61+s20+$0x0] =	vst.idx.msk $0xffff, v22;
	v25 =	vmul.f32 v25, v62;
	v30 =	vmul.f32 v37, v48  }
0xf2: {  	v57 =	vmov s28;
	v21 =	vadd.f32 v21, v11;
	v22 =	vadd.f32 v56, v12;
	[tilespmem:v40+s20+$0x0] =	vst.idx.msk $0xffff, v18  }
0xf3: {  	v18 =	vand.u32 $0x7E, v57;
	[tilespmem:v52+s20+$0x0] =	vst.idx.msk $0xffff, v17;
	v62 =	vmul.f32 v25, v45;
	v29 =	vmul.f32 v30, v29  }
0xf4: {  	v60 =	vadd.s32 v0, v18;
	v63 =	vmul.f32 v25, v38;
	v36 =	vmul.f32 v25, v36  }
0xf5: {  	v61 =	vadd.s32 v2, v18;
	v34 =	vmul.f32 v25, v34;
	v29 =	vmul.f32 v29, v30  }
0xf6: {  	v25 =	vmul.f32 v25, v35;
	v45 =	vadd.s32 v0, v19;
	v43 =	vsub.f32 v63, v62  }
0xf7: {  	v19 =	vadd.s32 v4, v19;
	[tilespmem:v53+s20+$0x0] =	vst.idx.msk $0xffff, v21;
	v36 =	vsub.f32 v36, v62;
	v54 =	vsub.f32 $1.500000000e+00, v29  }
0xf8: {  	v34 =	vsub.f32 v34, v62;
	v25 =	vsub.f32 v25, v62;
	v20 =	vmul.f32 v43, v5  }
0xf9: {  	v62 =	vadd.s32 v3, v18;
	v36 =	vmul.f32 v36, v6;
	v55 =	vmul.f32 v54, v30  }
0xfa: {  	v63 =	vadd.s32 v4, v18;
	v49 =	vmul.f32 v34, v7;
	v25 =	vmul.f32 v25, v8  }
0xfb: {  	[tilespmem:v59+s20+$0x0] =	vst.idx.msk $0xffff, v22;
	v58 =	vmul.f32 v55, v33;
	v15 =	vmul.f32 v55, v15  }
0xfc: {  	v20 =	vadd.f32 v20, v9;
	v50 =	vadd.f32 v36, v10;
	v16 =	vmul.f32 v55, v16  }
0xfd: {  	v51 =	vadd.f32 v49, v11;
	v13 =	vmul.f32 v55, v13;
	v15 =	vsub.f32 v15, v58  }
0xfe: {  	v25 =	vadd.f32 v25, v12;
	v14 =	vmul.f32 v55, v14;
	v16 =	vsub.f32 v16, v58  }
0xff: {  	[tilespmem:v45+s20+$0x0] =	vst.idx.msk $0xffff, v20;
	v13 =	vsub.f32 v13, v58;
	v15 =	vmul.f32 v15, v5  }
0x100: {  	[tilespmem:v46+s20+$0x0] =	vst.idx.msk $0xffff, v50;
	v14 =	vsub.f32 v14, v58;
	v16 =	vmul.f32 v16, v6  }
0x101: {  	[tilespmem:v47+s20+$0x0] =	vst.idx.msk $0xffff, v51;
	v13 =	vmul.f32 v13, v7;
	v15 =	vadd.f32 v15, v9  }
0x102: {  	[tilespmem:v19+s20+$0x0] =	vst.idx.msk $0xffff, v25;
	v14 =	vmul.f32 v14, v8;
	v16 =	vadd.f32 v16, v10  }
0x103: {  	s0 =	sshll.u32 s25, $0x13;
	v13 =	vadd.f32 v13, v11;
	[tilespmem:v60+s20+$0x0] =	vst.idx.msk $0xffff, v15  }
0x104: {  	s2 =	sor.u32 s9, s0;
	v14 =	vadd.f32 v14, v12;
	[tilespmem:v61+s20+$0x0] =	vst.idx.msk $0xffff, v16  }
0x105: {  	s2 =	sshrl.u32 s2, $0x3;
	[tilespmem:v62+s20+$0x0] =	vst.idx.msk $0xffff, v13  }
0x106: {  	s0 =	simm.s32 $0xA400;
	s29 =	sadd.s32 s4, s2;
	[tilespmem:v63+s20+$0x0] =	vst.idx.msk $0xffff, v14  }
0x107: {  	[hbm4b:s29+s5] =	stream.linear.scatter [tilespmem:s0], [sflag:$0x2], $0x80, $0x38;
	[tilespmem:$0x11A80] =	vst v63  }
0x108: {  	s28 =	sadd.s32 $0x10, s29;
	s0 =	simm.s32 $0xA488  }
0x109: {  	[hbm4b:s28+s5] =	stream.linear.scatter [tilespmem:s0], [sflag:$0x2], $0x80, $0x38;
	[tilespmem:$0x11A80] =	vst v63  }
0x10a: {  	s0 =	simm.s32 $0xA510;
	s28 =	sadd.s32 $0x20, s29  }
0x10b: {  	[hbm4b:s28+s5] =	stream.linear.scatter [tilespmem:s0], [sflag:$0x2], $0x80, $0x38;
	[tilespmem:$0x11A80] =	vst v63  }
0x10c: {  	s0 =	simm.s32 $0xA598;
	s28 =	sadd.s32 $0x30, s29  }
0x10d: {  	[hbm4b:s28+s5] =	stream.linear.scatter [tilespmem:s0], [sflag:$0x2], $0x80, $0x38;
	[tilespmem:$0x11A80] =	vst v63  }
0x10e: {  	s0 =	simm.s32 $0xA620;
	s28 =	sadd.s32 $0x40, s29  }
0x10f: {  	[hbm4b:s28+s5] =	stream.linear.scatter [tilespmem:s0], [sflag:$0x2], $0x80, $0x38;
	[tilespmem:$0x11A80] =	vst v63  }
0x110: {  	s30 =	simm.s32 $0x2200;
	s0 =	simm.s32 $0xA6A8;
	s28 =	sadd.s32 $0x50, s29  }
0x111: {  	[hbm4b:s28+s5] =	stream.linear.scatter [tilespmem:s0], [sflag:$0x2], $0x80, $0x38;
	[tilespmem:$0x11A80] =	vst v63  }
0x112: {  	s31 =	simm.s32 $0xA7B8;
	s0 =	simm.s32 $0xA730;
	s28 =	sadd.s32 $0x60, s29  }
0x113: {  	[hbm4b:s28+s5] =	stream.linear.scatter [tilespmem:s0], [sflag:$0x2], $0x80, $0x38;
	[tilespmem:$0x11A80] =	vst v63  }
0x114: {  	s2 =	sadd.s32 $0x70, s29;
	s29 =	sadd.s32 $0x1000, s29;
	s28 =	simm.s32 $0x440  }
.LBB2_5:
0x115: {  	[hbm4b:s2+s5] =	stream.linear.scatter [tilespmem:s31], [sflag:$0x2], $0x80, $0x38;
	[tilespmem:$0x11A80] =	vst v63  }
0x116: {  	s2 =	smov.u32 s28;
	s28 =	smov.u32 s30  }
0x117: {  	s0 =	sadd.s32 $0x1100, s30;
	s28 =	sshra.s32 s28, $0x2;
	s31 =	sadd.s32 $0xA400, s2  }
0x118: {  	[hbm4b:s29+s5] =	stream.linear.scatter [tilespmem:s31], [sflag:$0x2], $0x80, $0x38;
	[tilespmem:$0x11A80] =	vst v63  }
0x119: {  	p1 =	sne.s32 s30, $0x7700;
	s30 =	sadd.s32 $0xA488, s2;
	s31 =	sadd.s32 $0x10, s29  }
0x11a: {  	[hbm4b:s31+s5] =	stream.linear.scatter [tilespmem:s30], [sflag:$0x2], $0x80, $0x38;
	[tilespmem:$0x11A80] =	vst v63  }
0x11b: {  	s30 =	sadd.s32 $0xA510, s2;
	s31 =	sadd.s32 $0x20, s29  }
0x11c: {  	[hbm4b:s31+s5] =	stream.linear.scatter [tilespmem:s30], [sflag:$0x2], $0x80, $0x38;
	[tilespmem:$0x11A80] =	vst v63  }
0x11d: {  	s30 =	sadd.s32 $0xA598, s2;
	s31 =	sadd.s32 $0x30, s29  }
0x11e: {  	[hbm4b:s31+s5] =	stream.linear.scatter [tilespmem:s30], [sflag:$0x2], $0x80, $0x38;
	[tilespmem:$0x11A80] =	vst v63  }
0x11f: {  	s30 =	sadd.s32 $0xA620, s2;
	s31 =	sadd.s32 $0x40, s29  }
0x120: {  	[hbm4b:s31+s5] =	stream.linear.scatter [tilespmem:s30], [sflag:$0x2], $0x80, $0x38;
	[tilespmem:$0x11A80] =	vst v63  }
0x121: {  	s30 =	sadd.s32 $0xA6A8, s2;
	s31 =	sadd.s32 $0x50, s29  }
0x122: {  	[hbm4b:s31+s5] =	stream.linear.scatter [tilespmem:s30], [sflag:$0x2], $0x80, $0x38;
	[tilespmem:$0x11A80] =	vst v63  }
.Ltmp1:
0x123: {  	_ = 	snop;
	(pc) =	sbr.rel @p1 .LBB2_5-.Ltmp1, $4  }
0x124: {  	s30 =	sadd.s32 $0xA730, s2;
	s31 =	sadd.s32 $0x60, s29  }
0x125: {  	[hbm4b:s31+s5] =	stream.linear.scatter [tilespmem:s30], [sflag:$0x2], $0x80, $0x38;
	[tilespmem:$0x11A80] =	vst v63  }
0x126: {  	s31 =	sadd.s32 $0xA7B8, s2  }
0x127: {  	s2 =	sadd.s32 $0x70, s29;
	s29 =	sadd.s32 $0x1000, s29;
	s30 =	smov.u32 s0  }
0x128: {  	[hbm4b:s2+s5] =	stream.linear.scatter [tilespmem:s31], [sflag:$0x2], $0x80, $0x38;
	[tilespmem:$0x11A80] =	vst v63  }
0x129: {  	s0 =	sadd.s32 $0xA400, s28  }
0x12a: {  	[hbm4b:s29+s5] =	stream.linear.scatter [tilespmem:s0], [sflag:$0x2], $0x80, $0x38;
	[tilespmem:$0x11A80] =	vst v63  }
0x12b: {  	s30 =	sadd.s32 $0xA488, s28;
	s31 =	sadd.s32 $0x10, s29  }
0x12c: {  	[hbm4b:s31+s5] =	stream.linear.scatter [tilespmem:s30], [sflag:$0x2], $0x80, $0x38;
	[tilespmem:$0x11A80] =	vst v63  }
0x12d: {  	s30 =	sadd.s32 $0xA510, s28;
	s31 =	sadd.s32 $0x20, s29  }
0x12e: {  	[hbm4b:s31+s5] =	stream.linear.scatter [tilespmem:s30], [sflag:$0x2], $0x80, $0x38;
	[tilespmem:$0x11A80] =	vst v63  }
0x12f: {  	s30 =	sadd.s32 $0xA598, s28;
	s31 =	sadd.s32 $0x30, s29  }
0x130: {  	[hbm4b:s31+s5] =	stream.linear.scatter [tilespmem:s30], [sflag:$0x2], $0x80, $0x38;
	[tilespmem:$0x11A80] =	vst v63  }
0x131: {  	s30 =	sadd.s32 $0xA620, s28;
	s31 =	sadd.s32 $0x40, s29  }
0x132: {  	[hbm4b:s31+s5] =	stream.linear.scatter [tilespmem:s30], [sflag:$0x2], $0x80, $0x38;
	[tilespmem:$0x11A80] =	vst v63  }
0x133: {  	p1 =	sne.s32 s25, $0x63;
	s30 =	sadd.s32 $0xA6A8, s28;
	s31 =	sadd.s32 $0x50, s29  }
0x134: {  	[hbm4b:s31+s5] =	stream.linear.scatter [tilespmem:s30], [sflag:$0x2], $0x80, $0x38;
	[tilespmem:$0x11A80] =	vst v63  }
.Ltmp2:
0x135: {  	_ = 	snop;
	(pc) =	sbr.rel @p1 .LBB2_8-.Ltmp2, $4  }
0x136: {  	s30 =	sadd.s32 $0xA730, s28;
	s31 =	sadd.s32 $0x60, s29  }
0x137: {  	[hbm4b:s31+s5] =	stream.linear.scatter [tilespmem:s30], [sflag:$0x2], $0x80, $0x38;
	[tilespmem:$0x11A80] =	vst v63  }
0x138: {  	s30 =	sadd.s32 $0xA7B8, s28;
	s31 =	sadd.s32 $0x70, s29  }
0x139: {  	[hbm4b:s31+s5] =	stream.linear.scatter [tilespmem:s30], [sflag:$0x2], $0x80, $0x38;
	[tilespmem:$0x11A80] =	vst v63  }
.Ltmp3:
0x13a: {  	(pc) =	sbr.rel .LBB2_9-.Ltmp3, $4  }
0x13b: {  	_ = 	snop  }
0x13c: {  	_ =	swait.ge [sflag:s19], $0x2000  }
0x13d: {  	[sflag:s19] =	ssyncset.done $0x0  }
0x13e: {  	[sflag:s19] =	ssyncadd.s32 $0xFFFFE000  }
.LBB2_8:
0x13f: {  	s0 =	sshll.u32 s25, $0x8  }
0x140: {  	s0 =	sand.u32 $0x3FFFFF00, s0  }
.Ltmp4:
0x141: {  	s0 =	sadd.s32 $0x100, s0;
	(pc) =	sbr.rel @p0 .LBB2_10-.Ltmp4, $4  }
0x142: {  	[tilespmem:s17], [sflag:$0x1] =	stream.indirect.gather [hbm4b:s6+s15], $0x40, s0, s15, $0xb8;
	[tilespmem:$0x11A80] =	vst v63  }
0x143: {  	_ =	swait.ge [sflag:s19], $0x2000  }
0x144: {  	[sflag:s19] =	ssyncset.done $0x0  }
0x145: {  	[sflag:s19] =	ssyncadd.s32 $0xFFFFE000  }
.LBB2_9:
0x146: {  	_ =	swait.ge [sflag:s21], $0x2000  }
0x147: {  	[sflag:s21] =	ssyncset.done $0x0  }
0x148: {  	[sflag:s21] =	ssyncadd.s32 $0xFFFFE000  }
.LBB2_10:
0x149: {  	s2 =	simm.s32 $0x8440  }
0x14a: {  	v17 =	vld [tilespmem:s2+$0x0]  }
0x14b: {  	s0 =	sshll.u32 s26, $0x6;
	v18 =	vld [tilespmem:s2+$0x10]  }
0x14c: {  	s0 =	sand.u32 $0x3FFFFFC0, s0;
	v19 =	vld [tilespmem:s2+$0x20]  }
0x14d: {  	v15 =	vld [tilespmem:s0+$0xE800]  }
0x14e: {  	v16 =	vld [tilespmem:s0+$0xE810]  }
0x14f: {  	v13 =	vld [tilespmem:s0+$0xE820]  }
0x150: {  	v20 =	vld [tilespmem:s2+$0x30]  }
0x151: {  	v14 =	vld [tilespmem:s0+$0xE830];
	_ =	sdelay $0x1  }
0x152: {  	v17 =	vadd.f32 v17, v15;
	v18 =	vadd.f32 v18, v16  }
0x153: {  	v21 =	vadd.f32 v19, v13  }
0x154: {  	v19 =	vadd.f32 v18, v17;
	v22 =	vmul.f32 v17, v17;
	v23 =	vmul.f32 v18, v18  }
0x155: {  	v25 =	vadd.f32 v20, v14  }
0x156: {  	v19 =	vadd.f32 v21, v19;
	v20 =	vadd.f32 v23, v22;
	v22 =	vmul.f32 v21, v21;
	_ =	sdelay $0x1  }
0x157: {  	v19 =	vadd.f32 v25, v19;
	v20 =	vadd.f32 v22, v20;
	v22 =	vmul.f32 v25, v25;
	_ =	sdelay $0x1  }
0x158: {  	(xrf2) =	vadd.scan.msk.f32 $0xffff, v19;
	v19 =	vadd.f32 v22, v20;
	_ =	sdelay $0x1  }
0x159: {  	(xrf2) =	vadd.scan.msk.f32 $0xffff, v19;
	_ =	sdelay $0x1  }
0x15a: {  	v20 =	vld [tilespmem:s2+$0xFFFFFFC0]  }
0x15b: {  	v19 =	vld [tilespmem:s2+$0xFFFFFFD0];
	_ =	sdelay $0x1  }
0x15c: {  	v22 =	vld [tilespmem:s2+$0xFFFFFFE0]  }
0x15d: {  	v23 =	vld [tilespmem:s2+$0xFFFFFFF0];
	_ =	sdelay $0x1  }
0x15e: {  	v34 =	vadd.f32 v20, v15;
	v31 =	vadd.f32 v19, v16;
	v19, _, _ =	vpop (xrf2)  }
0x15f: {  	v19 =	vperm.xlane v19, v1  }
0x160: {  	v30 =	vadd.f32 v22, v13;
	v20 =	vadd.f32 v31, v34;
	v24, _, _ =	vpop (xrf2)  }
0x161: {  	v33 =	vadd.f32 v23, v14;
	v26 =	vmul.f32 $1.562500000e-02, v19;
	v19 =	vperm.xlane v24, v1  }
0x162: {  	v22 =	vmul.f32 v31, v31;
	v20 =	vadd.f32 v30, v20;
	v24 =	vmul.f32 v34, v34  }
0x163: {  	s2 =	simm.s32 $0x84C0;
	v19 =	vmul.f32 $1.562500000e-02, v19;
	v23 =	vmul.f32 v26, v26  }
0x164: {  	v27 =	vld [tilespmem:s2+$0x0];
	v20 =	vadd.f32 v33, v20;
	v22 =	vadd.f32 v22, v24;
	v24 =	vmul.f32 v30, v30  }
0x165: {  	v19 =	vsub.f32 v19, v23;
	v23 =	vld [tilespmem:s2+$0x10]  }
0x166: {  	v28 =	vld [tilespmem:s2+$0x20];
	(xrf2) =	vadd.scan.msk.f32 $0xffff, v20;
	v22 =	vadd.f32 v24, v22;
	v24 =	vmul.f32 v33, v33  }
0x167: {  	v19 =	vadd.f32 $9.999999960e-13, v19  }
0x168: {  	v20 =	vadd.f32 v24, v22;
	v22 =	vld [tilespmem:s2+$0x30]  }
0x169: {  	v24 =	vshra.s32 v19, $0x1;
	v19 =	vmul.f32 $5.000000000e-01, v19  }
0x16a: {  	v37 =	vadd.f32 v27, v15;
	(xrf2) =	vadd.scan.msk.f32 $0xffff, v20;
	v20 =	vsub.s32 $0x5F3759DF, v24;
	v36 =	vadd.f32 v23, v16  }
0x16b: {  	v32 =	vadd.f32 v28, v13;
	v23 =	vmul.f32 v20, v19  }
0x16c: {  	v27 =	vmul.f32 v37, v37;
	v24 =	vadd.f32 v36, v37;
	v28 =	vmul.f32 v36, v36  }
0x16d: {  	v35 =	vadd.f32 v22, v14;
	v23 =	vmul.f32 v20, v23  }
0x16e: {  	v22 =	vadd.f32 v32, v24;
	v24 =	vadd.f32 v28, v27;
	v27 =	vmul.f32 v32, v32  }
0x16f: {  	v29 =	vld [tilespmem:s2+$0xFFFFFFC0];
	v23 =	vsub.f32 $1.500000000e+00, v23  }
0x170: {  	v38, _, _ =	vpop (xrf2);
	v28 =	vld [tilespmem:s2+$0xFFFFFFD0];
	v22 =	vadd.f32 v35, v22;
	v24 =	vadd.f32 v27, v24;
	v27 =	vmul.f32 v35, v35  }
0x171: {  	v38 =	vperm.xlane v38, v1  }
0x172: {  	v39 =	vld [tilespmem:s2+$0xFFFFFFE0];
	v23 =	vmul.f32 v20, v23;
	(xrf2) =	vadd.scan.msk.f32 $0xffff, v22;
	v20 =	vadd.f32 v27, v24  }
0x173: {  	v38 =	vmul.f32 $1.562500000e-02, v38;
	v27 =	vld [tilespmem:s2+$0xFFFFFFF0]  }
0x174: {  	v24 =	vadd.f32 v29, v15;
	v40 =	vmul.f32 v23, v19;
	v22, _, _ =	vpop (xrf2);
	(xrf2) =	vadd.scan.msk.f32 $0xffff, v20  }
0x175: {  	v19 =	vadd.f32 v28, v16;
	v28 =	vmul.f32 v38, v38;
	v20 =	vperm.xlane v22, v1  }
0x176: {  	v41 =	vmul.f32 v24, v24;
	v22 =	vmul.f32 v40, v23  }
0x177: {  	v52 =	vadd.f32 v19, v24;
	v29 =	vmul.f32 $1.562500000e-02, v20;
	v20 =	vadd.f32 v39, v13  }
0x178: {  	v53 =	vmul.f32 v19, v19;
	v42 =	vsub.f32 $1.500000000e+00, v22;
	v22 =	vadd.f32 v27, v14  }
0x179: {  	v27 =	vadd.f32 v20, v52;
	v28 =	vsub.f32 v29, v28  }
0x17a: {  	s2 =	simm.s32 $0x1;
	v29 =	vadd.f32 v53, v41;
	v54 =	vmul.f32 v20, v20;
	v23 =	vmul.f32 v42, v23  }
0x17b: {  	v60 =	vmov s2;
	v56 =	vmul.f32 v22, v22;
	v27 =	vadd.f32 v22, v27  }
0x17c: {  	v28 =	vadd.f32 $9.999999960e-13, v28;
	v29 =	vadd.f32 v54, v29;
	v26 =	vmul.f32 v23, v26;
	v55, _, _ =	vpop (xrf2)  }
0x17d: {  	v61 =	vand.u32 $0x7F, v60;
	v17 =	vmul.f32 v23, v17;
	(xrf2) =	vadd.scan.msk.f32 $0xffff, v27;
	v27 =	vperm.xlane v55, v1  }
0x17e: {  	v57 =	vshra.s32 v28, $0x1;
	v28 =	vmul.f32 $5.000000000e-01, v28;
	v29 =	vadd.f32 v56, v29;
	v58, _, _ =	vpop (xrf2)  }
0x17f: {  	v39 =	vsub.s32 $0x5F3759DF, v57;
	v41 =	vmul.f32 $1.562500000e-02, v27;
	v27 =	vperm.xlane v58, v1  }
0x180: {  	v43 =	vadd.s32 v2, v61;
	v18 =	vmul.f32 v23, v18;
	(xrf2) =	vadd.scan.msk.f32 $0xffff, v29;
	v29 =	vmul.f32 v39, v28  }
0x181: {  	v47 =	vadd.s32 v3, v61;
	v27 =	vmul.f32 $1.562500000e-02, v27;
	v59 =	vmul.f32 v41, v41  }
0x182: {  	v21 =	vmul.f32 v23, v21;
	v17 =	vsub.f32 v17, v26;
	v29 =	vmul.f32 v39, v29  }
0x183: {  	v23 =	vmul.f32 v23, v25;
	v18 =	vsub.f32 v18, v26;
	v27 =	vsub.f32 v27, v59  }
0x184: {  	s2 =	simm.s32 $0x8540;
	v40 =	vadd.s32 v4, v61;
	v21 =	vsub.f32 v21, v26;
	v29 =	vsub.f32 $1.500000000e+00, v29  }
0x185: {  	v23 =	vsub.f32 v23, v26;
	v26 =	vld [tilespmem:s2+$0x20];
	v17 =	vmul.f32 v17, v5;
	v25 =	vadd.f32 $9.999999960e-13, v27  }
0x186: {  	v42 =	vadd.s32 v0, v61;
	v46 =	vmul.f32 v18, v6;
	v39 =	vmul.f32 v39, v29  }
0x187: {  	v48 =	vld [tilespmem:s2+$0xFFFFFFD0];
	v21 =	vmul.f32 v21, v7;
	v27, _, _ =	vpop (xrf2);
	v29 =	vshra.s32 v25, $0x1;
	v44 =	vmul.f32 $5.000000000e-01, v25  }
0x188: {  	v18 =	vld [tilespmem:s2+$0x10];
	v28 =	vmul.f32 v39, v28;
	v25 =	vperm.xlane v27, v1;
	v45 =	vsub.s32 $0x5F3759DF, v29  }
0x189: {  	v23 =	vmul.f32 v23, v8;
	v50 =	vadd.f32 v17, v9;
	v27 =	vld [tilespmem:s2+$0x0];
	v29 =	vmul.f32 v45, v44  }
0x18a: {  	v52 =	vld [tilespmem:s2+$0xFFFFFFC0];
	v26 =	vadd.f32 v26, v13;
	v49, _, _ =	vpop (xrf2);
	v28 =	vmul.f32 v28, v39;
	v25 =	vmul.f32 $1.562500000e-02, v25  }
0x18b: {  	v46 =	vadd.f32 v46, v10;
	v49 =	vperm.xlane v49, v1;
	v29 =	vmul.f32 v45, v29  }
0x18c: {  	v56 =	vadd.f32 v21, v11;
	v59 =	vmul.f32 v26, v26;
	v17 =	vsub.f32 $1.500000000e+00, v28  }
0x18d: {  	v28 =	vld [tilespmem:s2+$0x30];
	v51 =	vmul.f32 v25, v25;
	v49 =	vmul.f32 $1.562500000e-02, v49;
	v53 =	vsub.f32 $1.500000000e+00, v29  }
0x18e: {  	v29 =	vadd.f32 v27, v15;
	v27 =	vadd.f32 v18, v16;
	v39 =	vmul.f32 v17, v39  }
0x18f: {  	v54 =	vld [tilespmem:s2+$0xFFFFFFE0];
	v17 =	vadd.f32 v48, v16;
	v18 =	vadd.f32 v52, v15;
	v45 =	vmul.f32 v45, v53  }
0x190: {  	v48 =	vsub.f32 v49, v51;
	v63 =	vmul.f32 v29, v29;
	v57 =	vmul.f32 v27, v27  }
0x191: {  	v62 =	vadd.f32 v27, v29;
	v58 =	vmul.f32 v17, v17;
	v55 =	vmul.f32 v18, v18  }
0x192: {  	v38 =	vmul.f32 v39, v38;
	v34 =	vmul.f32 v39, v34;
	v28 =	vadd.f32 v28, v14  }
0x193: {  	v31 =	vmul.f32 v39, v31;
	v51 =	vadd.f32 v57, v63;
	v49 =	vadd.f32 v26, v62  }
0x194: {  	v21 =	vadd.f32 v54, v13;
	v30 =	vmul.f32 v39, v30;
	v44 =	vmul.f32 v45, v44  }
0x195: {  	v60 =	vld [tilespmem:s2+$0xFFFFFFF0];
	v61 =	vmul.f32 v28, v28;
	v51 =	vadd.f32 v59, v51;
	v49 =	vadd.f32 v28, v49  }
0x196: {  	v48 =	vadd.f32 $9.999999960e-13, v48;
	v53 =	vadd.f32 v58, v55;
	v44 =	vmul.f32 v44, v45  }
0x197: {  	s2 =	simm.s32 $0x0;
	v33 =	vmul.f32 v39, v33;
	v63 =	vadd.f32 v17, v18;
	v51 =	vadd.f32 v61, v51;
	(xrf2) =	vadd.scan.msk.f32 $0xffff, v49  }
0x198: {  	v62 =	vmov s2;
	v34 =	vsub.f32 v34, v38;
	v44 =	vsub.f32 $1.500000000e+00, v44  }
0x199: {  	v57 =	vmul.f32 v21, v21;
	v30 =	vsub.f32 v30, v38;
	v49 =	vadd.f32 v23, v12;
	(xrf2) =	vadd.scan.msk.f32 $0xffff, v51  }
0x19a: {  	s2 =	simm.s32 $0x3;
	v23 =	vadd.f32 v60, v14;
	v44 =	vmul.f32 v44, v45;
	v45 =	vadd.f32 v21, v63  }
0x19b: {  	v33 =	vsub.f32 v33, v38;
	v54 =	vand.u32 $0x7E, v62;
	v59 =	vmov s2  }
0x19c: {  	[tilespmem:v42+s22+$0x0] =	vst.idx.msk $0xffff, v50;
	v62 =	vadd.f32 v57, v53;
	v57 =	vshra.s32 v48, $0x1;
	v58 =	vadd.f32 v23, v45  }
0x19d: {  	[tilespmem:v43+s22+$0x0] =	vst.idx.msk $0xffff, v46;
	v48 =	vmul.f32 $5.000000000e-01, v48;
	v30 =	vmul.f32 v30, v7;
	v60 =	vand.u32 $0x7F, v59  }
0x19e: {  	v33 =	vmul.f32 v33, v8;
	v59 =	vsub.s32 $0x5F3759DF, v57;
	v42 =	vadd.s32 v0, v60;
	(xrf2) =	vadd.scan.msk.f32 $0xffff, v58  }
0x19f: {  	v46 =	vadd.s32 v3, v60;
	v41 =	vmul.f32 v44, v41;
	v32 =	vmul.f32 v44, v32  }
0x1a0: {  	v43 =	vadd.s32 v4, v60;
	v55 =	vmul.f32 v23, v23;
	v37 =	vmul.f32 v44, v37  }
0x1a1: {  	v36 =	vmul.f32 v44, v36;
	v35 =	vmul.f32 v44, v35;
	v32 =	vsub.f32 v32, v41;
	v63, _, _ =	vpop (xrf2)  }
0x1a2: {  	v44 =	vadd.s32 v2, v60;
	v51 =	vadd.f32 v55, v62;
	v50 =	vperm.xlane v63, v1  }
0x1a3: {  	v37 =	vsub.f32 v37, v41;
	v36 =	vsub.f32 v36, v41;
	v61 =	vmul.f32 v32, v7;
	v58, _, _ =	vpop (xrf2)  }
0x1a4: {  	[tilespmem:v47+s22+$0x0] =	vst.idx.msk $0xffff, v56;
	v35 =	vsub.f32 v35, v41;
	v32 =	vmul.f32 $1.562500000e-02, v50;
	v60 =	vperm.xlane v58, v1  }
0x1a5: {  	v37 =	vmul.f32 v37, v5;
	v41 =	vadd.f32 v61, v11;
	v61 =	vmul.f32 v59, v48;
	(xrf2) =	vadd.scan.msk.f32 $0xffff, v51  }
0x1a6: {  	[tilespmem:v40+s22+$0x0] =	vst.idx.msk $0xffff, v49;
	v45 =	vadd.s32 v0, v54;
	v47 =	vmul.f32 $1.562500000e-02, v60;
	v50 =	vmul.f32 v32, v32  }
0x1a7: {  	v36 =	vmul.f32 v36, v6;
	v37 =	vadd.f32 v37, v9;
	v49 =	vmul.f32 v59, v61  }
0x1a8: {  	v35 =	vmul.f32 v35, v8;
	v63 =	vsub.f32 v31, v38;
	v62, _, _ =	vpop (xrf2);
	v47 =	vsub.f32 v47, v50  }
0x1a9: {  	v36 =	vadd.f32 v36, v10;
	v49 =	vsub.f32 $1.500000000e+00, v49;
	v52 =	vperm.xlane v62, v1  }
0x1aa: {  	v35 =	vadd.f32 v35, v12;
	[tilespmem:v42+s22+$0x0] =	vst.idx.msk $0xffff, v37;
	v56 =	vmul.f32 v63, v6;
	v55 =	vadd.f32 $9.999999960e-13, v47  }
0x1ab: {  	v51 =	vadd.s32 v2, v54;
	[tilespmem:v44+s22+$0x0] =	vst.idx.msk $0xffff, v36;
	v40 =	vmul.f32 v59, v49;
	v31 =	vmul.f32 $1.562500000e-02, v52  }
0x1ac: {  	s30 =	simm.s32 $0x85C0;
	[tilespmem:v46+s22+$0x0] =	vst.idx.msk $0xffff, v41;
	v52 =	vmul.f32 v34, v5;
	v57 =	vshra.s32 v55, $0x1;
	v41 =	vmul.f32 $5.000000000e-01, v55  }
0x1ad: {  	[tilespmem:v43+s22+$0x0] =	vst.idx.msk $0xffff, v35;
	v35 =	vld [tilespmem:s30+$0x10];
	v50 =	vadd.s32 v3, v54;
	v58 =	vmul.f32 v40, v48;
	v42 =	vsub.s32 $0x5F3759DF, v57  }
0x1ae: {  	v33 =	vadd.f32 v33, v12;
	v34 =	vld [tilespmem:s30+$0x0];
	v36 =	vadd.f32 v52, v9;
	v59 =	vmul.f32 v42, v41  }
0x1af: {  	s2 =	simm.s32 $0x2;
	v60 =	vadd.f32 v56, v10;
	v43 =	vld [tilespmem:s30+$0xFFFFFFD0];
	v62 =	vadd.f32 v30, v11;
	v61, _, _ =	vpop (xrf2);
	v37 =	vmul.f32 v58, v40  }
0x1b0: {  	v46 =	vld [tilespmem:s30+$0x20];
	v30 =	vmov s2;
	v63 =	vperm.xlane v61, v1;
	[tilespmem:v45+s22+$0x0] =	vst.idx.msk $0xffff, v36;
	v38 =	vmul.f32 v42, v59  }
0x1b1: {  	v44 =	vld [tilespmem:s30+$0xFFFFFFC0];
	v30 =	vand.u32 $0x7E, v30;
	v39 =	vmul.f32 v31, v31;
	v45 =	vsub.f32 $1.500000000e+00, v37;
	[tilespmem:v51+s22+$0x0] =	vst.idx.msk $0xffff, v60  }
0x1b2: {  	s29 =	simm.s32 $0x4;
	s28 =	simm.s32 $0x6;
	s31 =	simm.s32 $0x8;
	v48 =	vld [tilespmem:s30+$0x30];
	v47 =	vmul.f32 $1.562500000e-02, v63;
	v37 =	vadd.s32 v4, v54;
	[tilespmem:v50+s22+$0x0] =	vst.idx.msk $0xffff, v62;
	v49 =	vsub.f32 $1.500000000e+00, v38  }
.LBB2_11:
0x1b3: {  	p0 =	slt.u32 s31, $0x7E;
	v36 =	vld [tilespmem:s30+$0xFFFFFFE0];
	v34 =	vadd.f32 v34, v15;
	v35 =	vadd.f32 v35, v16;
	v38 =	vmul.f32 v45, v40  }
0x1b4: {  	v40 =	vadd.f32 v43, v16;
	v43 =	vld [tilespmem:s30+$0xFFFFFFF0];
	v39 =	vsub.f32 v47, v39;
	v42 =	vmul.f32 v42, v49  }
0x1b5: {  	v45 =	vadd.f32 v46, v13;
	v46 =	vadd.f32 v35, v34;
	v47 =	vmul.f32 v34, v34  }
0x1b6: {  	v49 =	vmul.f32 v35, v35;
	v44 =	vadd.f32 v44, v15;
	v41 =	vmul.f32 v42, v41  }
0x1b7: {  	v50 =	vmul.f32 v40, v40;
	v48 =	vadd.f32 v48, v14;
	v46 =	vadd.f32 v45, v46  }
0x1b8: {  	v47 =	vadd.f32 v49, v47;
	v49 =	vmul.f32 v45, v45;
	v41 =	vmul.f32 v41, v42  }
0x1b9: {  	v51 =	vadd.f32 v40, v44;
	v52 =	vmul.f32 v44, v44;
	v46 =	vadd.f32 v48, v46  }
0x1ba: {  	v47 =	vadd.f32 v49, v47;
	v49 =	vmul.f32 v48, v48;
	v41 =	vsub.f32 $1.500000000e+00, v41;
	[tilespmem:v37+s22+$0x0] =	vst.idx.msk $0xffff, v33  }
0x1bb: {  	v33 =	vadd.f32 v36, v13;
	v36 =	vadd.f32 v50, v52;
	v37 =	vmul.f32 v38, v25;
	(xrf2) =	vadd.scan.msk.f32 $0xffff, v46  }
0x1bc: {  	v43 =	vadd.f32 v43, v14;
	v25 =	vmovc v31;
	v46 =	vadd.f32 v49, v47;
	v41 =	vmul.f32 v41, v42  }
0x1bd: {  	v39 =	vadd.f32 $9.999999960e-13, v39;
	v31 =	vadd.f32 v33, v51;
	v42 =	vmul.f32 v33, v33  }
0x1be: {  	s0 =	sadd.s32 $0x1, s29;
	v47 =	vadd.s32 v0, v30;
	(xrf2) =	vadd.scan.msk.f32 $0xffff, v46;
	v32 =	vmul.f32 v41, v32;
	v46 =	vmul.f32 v41, v29  }
0x1bf: {  	v49 =	vmov s0;
	v31 =	vadd.f32 v43, v31;
	v50 =	vmul.f32 v41, v27;
	v29 =	vmovc v34;
	v27 =	vmovc v35  }
0x1c0: {  	v35 =	vand.u32 $0x7F, v49;
	v34 =	vsub.f32 v46, v32;
	v46 =	vmul.f32 v41, v26;
	v26 =	vmovc v45  }
0x1c1: {  	v45 =	vsub.f32 v50, v32;
	v41 =	vmul.f32 v41, v28;
	(xrf2) =	vadd.scan.msk.f32 $0xffff, v31;
	v31 =	vadd.s32 v0, v35  }
0x1c2: {  	v49 =	vadd.s32 v2, v35;
	v28 =	vmovc v48;
	v34 =	vmul.f32 v34, v5;
	v46 =	vsub.f32 v46, v32  }
0x1c3: {  	v48 =	vadd.s32 v3, v35;
	v45 =	vmul.f32 v45, v6;
	v32 =	vsub.f32 v41, v32  }
0x1c4: {  	v35 =	vadd.s32 v4, v35;
	v34 =	vadd.f32 v34, v9;
	v41 =	vmul.f32 v46, v7  }
0x1c5: {  	v36 =	vadd.f32 v42, v36;
	v45 =	vadd.f32 v45, v10;
	v32 =	vmul.f32 v32, v8;
	v42, _, _ =	vpop (xrf2)  }
0x1c6: {  	v50 =	vshra.s32 v39, $0x1;
	v46 =	vmul.f32 v43, v43;
	[tilespmem:v31+s22+$0x0] =	vst.idx.msk $0xffff, v34;
	v31 =	vadd.f32 v41, v11  }
0x1c7: {  	v51 =	vmul.f32 $5.000000000e-01, v39;
	v34 =	vperm.xlane v42, v1;
	v39 =	vadd.f32 v32, v12;
	[tilespmem:v49+s22+$0x0] =	vst.idx.msk $0xffff, v45  }
0x1c8: {  	v24 =	vmul.f32 v38, v24;
	v42 =	vsub.s32 $0x5F3759DF, v50;
	v45 =	vadd.f32 v46, v36;
	v41, _, _ =	vpop (xrf2);
	[tilespmem:v48+s22+$0x0] =	vst.idx.msk $0xffff, v31  }
0x1c9: {  	v32 =	vmul.f32 $1.562500000e-02, v34;
	v48 =	vadd.s32 v2, v30;
	v31 =	vperm.xlane v41, v1;
	[tilespmem:v35+s22+$0x0] =	vst.idx.msk $0xffff, v39  }
0x1ca: {  	v24 =	vsub.f32 v24, v37;
	v34 =	vmul.f32 v42, v51;
	v41 =	vmul.f32 v38, v19;
	(xrf2) =	vadd.scan.msk.f32 $0xffff, v45  }
0x1cb: {  	v50 =	vadd.s32 v3, v30;
	v35 =	vmul.f32 v32, v32;
	v31 =	vmul.f32 $1.562500000e-02, v31;
	v36, _, _ =	vpop (xrf2)  }
0x1cc: {  	v19 =	vmovc v17;
	v34 =	vmul.f32 v42, v34;
	v39 =	vsub.f32 v41, v37;
	v36 =	vperm.xlane v36, v1  }
0x1cd: {  	v17 =	vmovc v40;
	v45 =	vmul.f32 v38, v22;
	v41 =	vmul.f32 v38, v20;
	v35 =	vsub.f32 v31, v35  }
0x1ce: {  	v34 =	vsub.f32 $1.500000000e+00, v34;
	v31 =	vmul.f32 $1.562500000e-02, v36;
	v36 =	vmul.f32 v24, v5;
	v24 =	vmovc v18;
	v18 =	vmovc v44  }
0x1cf: {  	v20 =	vmovc v21;
	v21 =	vmovc v33;
	v38 =	vmul.f32 v39, v6;
	v44 =	vsub.f32 v41, v37;
	v35 =	vadd.f32 $9.999999960e-13, v35  }
0x1d0: {  	v22 =	vmovc v23;
	v33 =	vsub.f32 v45, v37;
	v40 =	vmul.f32 v42, v34;
	v39 =	vmul.f32 v31, v31  }
0x1d1: {  	s30 =	sadd.s32 $0x80, s30;
	v23 =	vmovc v43;
	v44 =	vmul.f32 v44, v7;
	v37 =	vshra.s32 v35, $0x1;
	v41 =	vmul.f32 $5.000000000e-01, v35  }
0x1d2: {  	v33 =	vmul.f32 v33, v8;
	v34 =	vld [tilespmem:s30+$0x0];
	v42 =	vsub.s32 $0x5F3759DF, v37;
	v37 =	vmul.f32 v40, v51  }
.Ltmp5:
0x1d3: {  	v38 =	vadd.f32 v38, v10;
	v36 =	vadd.f32 v36, v9;
	v35 =	vld [tilespmem:s30+$0x10];
	v45 =	vmul.f32 v42, v41;
	(pc) =	sbr.rel @p0 .LBB2_11-.Ltmp5, $4  }
0x1d4: {  	v33 =	vadd.f32 v33, v12;
	v51 =	vadd.f32 v44, v11;
	v43 =	vld [tilespmem:s30+$0xFFFFFFD0];
	v49, _, _ =	vpop (xrf2);
	v37 =	vmul.f32 v37, v40  }
0x1d5: {  	v53 =	vmov s29;
	s29 =	smov.u32 s28;
	s28 =	smov.u32 s31;
	v46 =	vld [tilespmem:s30+$0x20];
	v49 =	vperm.xlane v49, v1;
	v52 =	vmul.f32 v42, v45;
	[tilespmem:v47+s22+$0x0] =	vst.idx.msk $0xffff, v36  }
0x1d6: {  	v36 =	vand.u32 $0x7E, v53;
	v44 =	vld [tilespmem:s30+$0xFFFFFFC0];
	v45 =	vsub.f32 $1.500000000e+00, v37;
	[tilespmem:v48+s22+$0x0] =	vst.idx.msk $0xffff, v38  }
0x1d7: {  	s31 =	sadd.s32 $0x2, s31;
	v37 =	vadd.s32 v4, v30;
	v30 =	vmovc v36;
	v48 =	vld [tilespmem:s30+$0x30];
	v47 =	vmul.f32 $1.562500000e-02, v49;
	v49 =	vsub.f32 $1.500000000e+00, v52;
	[tilespmem:v50+s22+$0x0] =	vst.idx.msk $0xffff, v51  }
0x1d8: {  	_ = 	snop  }
0x1d9: {  	v38 =	vadd.f32 v34, v15;
	v36 =	vadd.f32 v35, v16;
	v40 =	vmul.f32 v45, v40  }
0x1da: {  	v42 =	vmul.f32 v42, v49;
	v16 =	vadd.f32 v43, v16;
	v34 =	vadd.f32 v46, v13  }
0x1db: {  	v62 =	vadd.f32 v36, v38;
	v50 =	vmul.f32 v38, v38;
	v51 =	vmul.f32 v36, v36  }
0x1dc: {  	v25 =	vmul.f32 v40, v25;
	v24 =	vmul.f32 v40, v24;
	v35 =	vadd.f32 v48, v14  }
0x1dd: {  	v46 =	vadd.f32 v34, v62;
	v63 =	vadd.f32 v51, v50;
	v52 =	vmul.f32 v34, v34  }
0x1de: {  	v55 =	vld [tilespmem:s30+$0xFFFFFFE0];
	v39 =	vsub.f32 v47, v39;
	v19 =	vmul.f32 v40, v19;
	v20 =	vmul.f32 v40, v20  }
0x1df: {  	v56 =	vld [tilespmem:s30+$0xFFFFFFF0];
	v46 =	vadd.f32 v35, v46;
	v48 =	vadd.f32 v52, v63;
	v53 =	vmul.f32 v35, v35  }
0x1e0: {  	v22 =	vmul.f32 v40, v22;
	v15 =	vadd.f32 v44, v15;
	v39 =	vadd.f32 $9.999999960e-13, v39  }
0x1e1: {  	v41 =	vmul.f32 v42, v41;
	v24 =	vsub.f32 v24, v25;
	(xrf2) =	vadd.scan.msk.f32 $0xffff, v46;
	v54 =	vadd.f32 v53, v48  }
0x1e2: {  	v57 =	vmul.f32 v16, v16;
	v19 =	vsub.f32 v19, v25;
	v20 =	vsub.f32 v20, v25  }
0x1e3: {  	v22 =	vsub.f32 v22, v25;
	v41 =	vmul.f32 v41, v42;
	v59 =	vadd.f32 v16, v15;
	(xrf2) =	vadd.scan.msk.f32 $0xffff, v54  }
0x1e4: {  	v58 =	vmul.f32 v15, v15;
	v13 =	vadd.f32 v55, v13;
	v14 =	vadd.f32 v56, v14  }
0x1e5: {  	s0 =	sadd.s32 $0x1, s29;
	v56 =	vshra.s32 v39, $0x1;
	v39 =	vmul.f32 $5.000000000e-01, v39;
	v24 =	vmul.f32 v24, v5  }
0x1e6: {  	v63 =	vmov s0;
	v19 =	vmul.f32 v19, v6;
	v20 =	vmul.f32 v20, v7  }
0x1e7: {  	v22 =	vmul.f32 v22, v8;
	v41 =	vsub.f32 $1.500000000e+00, v41;
	v60 =	vadd.f32 v13, v59  }
0x1e8: {  	v44 =	vadd.f32 v57, v58;
	v61 =	vmul.f32 v13, v13;
	v47 =	vand.u32 $0x7F, v63  }
0x1e9: {  	v55 =	vmul.f32 v14, v14;
	v41 =	vmul.f32 v41, v42;
	v42 =	vadd.f32 v14, v60  }
0x1ea: {  	v46 =	vadd.s32 v0, v30;
	v43 =	vadd.f32 v61, v44;
	v44 =	vsub.s32 $0x5F3759DF, v56  }
0x1eb: {  	v49 =	vadd.s32 v0, v47;
	v24 =	vadd.f32 v24, v9;
	v58 =	vmul.f32 v44, v39;
	v62, _, _ =	vpop (xrf2);
	(xrf2) =	vadd.scan.msk.f32 $0xffff, v42  }
0x1ec: {  	v32 =	vmul.f32 v41, v32;
	v43 =	vadd.f32 v55, v43;
	v45 =	vperm.xlane v62, v1  }
0x1ed: {  	v19 =	vadd.f32 v19, v10;
	v29 =	vmul.f32 v41, v29;
	v27 =	vmul.f32 v41, v27;
	v52, _, _ =	vpop (xrf2)  }
0x1ee: {  	v20 =	vadd.f32 v20, v11;
	(xrf2) =	vadd.scan.msk.f32 $0xffff, v43;
	v45 =	vmul.f32 $1.562500000e-02, v45;
	v48 =	vperm.xlane v52, v1  }
0x1ef: {  	v22 =	vadd.f32 v22, v12;
	v26 =	vmul.f32 v41, v26;
	v28 =	vmul.f32 v41, v28  }
0x1f0: {  	v29 =	vsub.f32 v29, v32;
	v53 =	vmul.f32 $1.562500000e-02, v48;
	v54 =	vmul.f32 v45, v45  }
0x1f1: {  	v27 =	vsub.f32 v27, v32;
	v26 =	vsub.f32 v26, v32;
	v48 =	vmul.f32 v44, v58  }
0x1f2: {  	v41 =	vadd.s32 v2, v47;
	v28 =	vsub.f32 v28, v32;
	v42 =	vsub.f32 v53, v54  }
0x1f3: {  	v32 =	vadd.s32 v3, v47;
	v29 =	vmul.f32 v29, v5;
	v48 =	vsub.f32 $1.500000000e+00, v48  }
0x1f4: {  	v27 =	vmul.f32 v27, v6;
	v26 =	vmul.f32 v26, v7;
	v42 =	vadd.f32 $9.999999960e-13, v42  }
0x1f5: {  	v47 =	vadd.s32 v4, v47;
	v28 =	vmul.f32 v28, v8;
	v61 =	vmul.f32 v44, v48;
	v60, _, _ =	vpop (xrf2)  }
0x1f6: {  	v57 =	vshra.s32 v42, $0x1;
	v42 =	vmul.f32 $5.000000000e-01, v42;
	v40 =	vperm.xlane v60, v1  }
0x1f7: {  	v29 =	vadd.f32 v29, v9;
	v39 =	vmul.f32 v61, v39;
	v43 =	vsub.s32 $0x5F3759DF, v57  }
0x1f8: {  	[tilespmem:v37+s22+$0x0] =	vst.idx.msk $0xffff, v33;
	v27 =	vadd.f32 v27, v10;
	v52, _, _ =	vpop (xrf2);
	v59 =	vmul.f32 v43, v42;
	v33 =	vmul.f32 $1.562500000e-02, v40  }
0x1f9: {  	v26 =	vadd.f32 v26, v11;
	v39 =	vmul.f32 v39, v61;
	v48 =	vperm.xlane v52, v1  }
0x1fa: {  	[tilespmem:v49+s22+$0x0] =	vst.idx.msk $0xffff, v29;
	v50 =	vmul.f32 v43, v59;
	v63 =	vmul.f32 v33, v33  }
0x1fb: {  	[tilespmem:v41+s22+$0x0] =	vst.idx.msk $0xffff, v27;
	v55 =	vsub.f32 $1.500000000e+00, v39;
	v56 =	vmul.f32 $1.562500000e-02, v48;
	v59 =	vmov s29  }
0x1fc: {  	v28 =	vadd.f32 v28, v12;
	[tilespmem:v32+s22+$0x0] =	vst.idx.msk $0xffff, v26;
	v53 =	vadd.s32 v3, v30;
	v26 =	vand.u32 $0x7E, v59  }
0x1fd: {  	v50 =	vsub.f32 $1.500000000e+00, v50;
	v57 =	vmul.f32 v55, v61;
	v58 =	vsub.f32 v56, v63  }
0x1fe: {  	v61 =	vadd.s32 v4, v30;
	v40 =	vadd.s32 v0, v26;
	v52 =	vadd.s32 v2, v26  }
0x1ff: {  	v59 =	vadd.s32 v4, v26;
	v62 =	vmul.f32 v43, v50;
	v60 =	vmul.f32 v57, v31  }
0x200: {  	v29 =	vadd.f32 $9.999999960e-13, v58;
	v18 =	vmul.f32 v57, v18;
	v17 =	vmul.f32 v57, v17  }
0x201: {  	v43 =	vadd.s32 v2, v30;
	v21 =	vmul.f32 v57, v21;
	v23 =	vmul.f32 v57, v23  }
0x202: {  	v42 =	vmul.f32 v62, v42;
	v41 =	vshra.s32 v29, $0x1;
	v29 =	vmul.f32 $5.000000000e-01, v29  }
0x203: {  	[tilespmem:v46+s22+$0x0] =	vst.idx.msk $0xffff, v24;
	v18 =	vsub.f32 v18, v60;
	v17 =	vsub.f32 v17, v60;
	v37 =	vsub.s32 $0x5F3759DF, v41  }
0x204: {  	v21 =	vsub.f32 v21, v60;
	v54 =	vmul.f32 v42, v62;
	v44 =	vmul.f32 v37, v29  }
0x205: {  	s31 =	sadd.s32 $0x1, s28;
	v23 =	vsub.f32 v23, v60;
	v18 =	vmul.f32 v18, v5;
	v17 =	vmul.f32 v17, v6  }
0x206: {  	[tilespmem:v47+s22+$0x0] =	vst.idx.msk $0xffff, v28;
	v42 =	vmov s31;
	v21 =	vmul.f32 v21, v7;
	v32 =	vmul.f32 v37, v44  }
0x207: {  	v56 =	vmul.f32 v23, v8;
	[tilespmem:v43+s22+$0x0] =	vst.idx.msk $0xffff, v19;
	v19 =	vand.u32 $0x7F, v42;
	v25 =	vsub.f32 $1.500000000e+00, v54  }
0x208: {  	[tilespmem:v53+s22+$0x0] =	vst.idx.msk $0xffff, v20;
	v46 =	vadd.s32 v2, v19;
	v47 =	vadd.s32 v3, v19;
	v48 =	vsub.f32 $1.500000000e+00, v32  }
0x209: {  	v53 =	vadd.s32 v3, v26;
	v18 =	vadd.f32 v18, v9;
	v17 =	vadd.f32 v17, v10  }
0x20a: {  	[tilespmem:v61+s22+$0x0] =	vst.idx.msk $0xffff, v22;
	v25 =	vmul.f32 v25, v62;
	v30 =	vmul.f32 v37, v48  }
0x20b: {  	v57 =	vmov s28;
	v21 =	vadd.f32 v21, v11;
	v22 =	vadd.f32 v56, v12;
	[tilespmem:v40+s22+$0x0] =	vst.idx.msk $0xffff, v18  }
0x20c: {  	v18 =	vand.u32 $0x7E, v57;
	[tilespmem:v52+s22+$0x0] =	vst.idx.msk $0xffff, v17;
	v62 =	vmul.f32 v25, v45;
	v29 =	vmul.f32 v30, v29  }
0x20d: {  	v60 =	vadd.s32 v0, v18;
	v63 =	vmul.f32 v25, v38;
	v36 =	vmul.f32 v25, v36  }
0x20e: {  	v61 =	vadd.s32 v2, v18;
	v34 =	vmul.f32 v25, v34;
	v29 =	vmul.f32 v29, v30  }
0x20f: {  	v25 =	vmul.f32 v25, v35;
	v45 =	vadd.s32 v0, v19;
	v43 =	vsub.f32 v63, v62  }
0x210: {  	v19 =	vadd.s32 v4, v19;
	[tilespmem:v53+s22+$0x0] =	vst.idx.msk $0xffff, v21;
	v36 =	vsub.f32 v36, v62;
	v54 =	vsub.f32 $1.500000000e+00, v29  }
0x211: {  	v34 =	vsub.f32 v34, v62;
	v25 =	vsub.f32 v25, v62;
	v20 =	vmul.f32 v43, v5  }
0x212: {  	v62 =	vadd.s32 v3, v18;
	v36 =	vmul.f32 v36, v6;
	v55 =	vmul.f32 v54, v30  }
0x213: {  	v63 =	vadd.s32 v4, v18;
	v49 =	vmul.f32 v34, v7;
	v25 =	vmul.f32 v25, v8  }
0x214: {  	[tilespmem:v59+s22+$0x0] =	vst.idx.msk $0xffff, v22;
	v58 =	vmul.f32 v55, v33;
	v15 =	vmul.f32 v55, v15  }
0x215: {  	v20 =	vadd.f32 v20, v9;
	v50 =	vadd.f32 v36, v10;
	v16 =	vmul.f32 v55, v16  }
0x216: {  	v51 =	vadd.f32 v49, v11;
	v13 =	vmul.f32 v55, v13;
	v15 =	vsub.f32 v15, v58  }
0x217: {  	v25 =	vadd.f32 v25, v12;
	v14 =	vmul.f32 v55, v14;
	v16 =	vsub.f32 v16, v58  }
0x218: {  	[tilespmem:v45+s22+$0x0] =	vst.idx.msk $0xffff, v20;
	v13 =	vsub.f32 v13, v58;
	v15 =	vmul.f32 v15, v5  }
0x219: {  	[tilespmem:v46+s22+$0x0] =	vst.idx.msk $0xffff, v50;
	v14 =	vsub.f32 v14, v58;
	v16 =	vmul.f32 v16, v6  }
0x21a: {  	[tilespmem:v47+s22+$0x0] =	vst.idx.msk $0xffff, v51;
	v13 =	vmul.f32 v13, v7;
	v15 =	vadd.f32 v15, v9  }
0x21b: {  	[tilespmem:v19+s22+$0x0] =	vst.idx.msk $0xffff, v25;
	v14 =	vmul.f32 v14, v8;
	v16 =	vadd.f32 v16, v10  }
0x21c: {  	s2 =	sshll.u32 s26, $0x12;
	v13 =	vadd.f32 v13, v11;
	[tilespmem:v60+s22+$0x0] =	vst.idx.msk $0xffff, v15  }
0x21d: {  	s0 =	sor.u32 s9, s2;
	v14 =	vadd.f32 v14, v12;
	[tilespmem:v61+s22+$0x0] =	vst.idx.msk $0xffff, v16  }
0x21e: {  	s0 =	sshrl.u32 s0, $0x3;
	[tilespmem:v62+s22+$0x0] =	vst.idx.msk $0xffff, v13  }
0x21f: {  	s2 =	simm.s32 $0xC600;
	s0 =	sadd.s32 s4, s0;
	[tilespmem:v63+s22+$0x0] =	vst.idx.msk $0xffff, v14  }
0x220: {  	[hbm4b:s0+s5] =	stream.linear.scatter [tilespmem:s2], [sflag:$0x3], $0x80, $0x38;
	[tilespmem:$0x11A80] =	vst v63  }
0x221: {  	s26 =	simm.s32 $0xC688;
	s31 =	sadd.s32 $0x10, s0  }
0x222: {  	[hbm4b:s31+s5] =	stream.linear.scatter [tilespmem:s26], [sflag:$0x3], $0x80, $0x38;
	[tilespmem:$0x11A80] =	vst v63  }
0x223: {  	s26 =	simm.s32 $0xC710;
	s31 =	sadd.s32 $0x20, s0  }
0x224: {  	[hbm4b:s31+s5] =	stream.linear.scatter [tilespmem:s26], [sflag:$0x3], $0x80, $0x38;
	[tilespmem:$0x11A80] =	vst v63  }
0x225: {  	s26 =	simm.s32 $0xC798;
	s31 =	sadd.s32 $0x30, s0  }
0x226: {  	[hbm4b:s31+s5] =	stream.linear.scatter [tilespmem:s26], [sflag:$0x3], $0x80, $0x38;
	[tilespmem:$0x11A80] =	vst v63  }
0x227: {  	s26 =	simm.s32 $0xC820;
	s31 =	sadd.s32 $0x40, s0  }
0x228: {  	[hbm4b:s31+s5] =	stream.linear.scatter [tilespmem:s26], [sflag:$0x3], $0x80, $0x38;
	[tilespmem:$0x11A80] =	vst v63  }
0x229: {  	s30 =	simm.s32 $0xC9B8;
	s26 =	simm.s32 $0xC8A8;
	s31 =	sadd.s32 $0x50, s0  }
0x22a: {  	[hbm4b:s31+s5] =	stream.linear.scatter [tilespmem:s26], [sflag:$0x3], $0x80, $0x38;
	[tilespmem:$0x11A80] =	vst v63  }
0x22b: {  	s29 =	simm.s32 $0x2200;
	s26 =	simm.s32 $0xC930;
	s31 =	sadd.s32 $0x60, s0  }
0x22c: {  	[hbm4b:s31+s5] =	stream.linear.scatter [tilespmem:s26], [sflag:$0x3], $0x80, $0x38;
	[tilespmem:$0x11A80] =	vst v63  }
0x22d: {  	s28 =	sadd.s32 $0x1000, s0;
	s2 =	sadd.s32 $0x70, s0;
	s26 =	simm.s32 $0x440  }
.LBB2_13:
0x22e: {  	[hbm4b:s2+s5] =	stream.linear.scatter [tilespmem:s30], [sflag:$0x3], $0x80, $0x38;
	[tilespmem:$0x11A80] =	vst v63  }
0x22f: {  	s0 =	smov.u32 s26;
	s2 =	smov.u32 s29  }
0x230: {  	s31 =	sadd.s32 $0x1100, s29;
	s26 =	sshra.s32 s2, $0x2;
	s2 =	sadd.s32 $0xC600, s0  }
0x231: {  	[hbm4b:s28+s5] =	stream.linear.scatter [tilespmem:s2], [sflag:$0x3], $0x80, $0x38;
	[tilespmem:$0x11A80] =	vst v63  }
0x232: {  	p0 =	sne.s32 s29, $0x7700;
	s29 =	sadd.s32 $0x10, s28;
	s2 =	sadd.s32 $0xC688, s0  }
0x233: {  	[hbm4b:s29+s5] =	stream.linear.scatter [tilespmem:s2], [sflag:$0x3], $0x80, $0x38;
	[tilespmem:$0x11A80] =	vst v63  }
0x234: {  	s2 =	sadd.s32 $0xC710, s0;
	s29 =	sadd.s32 $0x20, s28  }
0x235: {  	[hbm4b:s29+s5] =	stream.linear.scatter [tilespmem:s2], [sflag:$0x3], $0x80, $0x38;
	[tilespmem:$0x11A80] =	vst v63  }
0x236: {  	s2 =	sadd.s32 $0xC798, s0;
	s29 =	sadd.s32 $0x30, s28  }
0x237: {  	[hbm4b:s29+s5] =	stream.linear.scatter [tilespmem:s2], [sflag:$0x3], $0x80, $0x38;
	[tilespmem:$0x11A80] =	vst v63  }
0x238: {  	s2 =	sadd.s32 $0xC820, s0;
	s29 =	sadd.s32 $0x40, s28  }
0x239: {  	[hbm4b:s29+s5] =	stream.linear.scatter [tilespmem:s2], [sflag:$0x3], $0x80, $0x38;
	[tilespmem:$0x11A80] =	vst v63  }
.Ltmp6:
0x23a: {  	s2 =	sadd.s32 $0xC8A8, s0;
	s29 =	sadd.s32 $0x50, s28;
	(pc) =	sbr.rel @p0 .LBB2_13-.Ltmp6, $4  }
0x23b: {  	[hbm4b:s29+s5] =	stream.linear.scatter [tilespmem:s2], [sflag:$0x3], $0x80, $0x38;
	[tilespmem:$0x11A80] =	vst v63  }
0x23c: {  	s30 =	sadd.s32 $0xC9B8, s0;
	s2 =	sadd.s32 $0xC930, s0;
	s29 =	sadd.s32 $0x60, s28  }
0x23d: {  	[hbm4b:s29+s5] =	stream.linear.scatter [tilespmem:s2], [sflag:$0x3], $0x80, $0x38;
	[tilespmem:$0x11A80] =	vst v63  }
0x23e: {  	s2 =	sadd.s32 $0x70, s28;
	s28 =	sadd.s32 $0x1000, s28;
	s29 =	smov.u32 s31  }
0x23f: {  	[hbm4b:s2+s5] =	stream.linear.scatter [tilespmem:s30], [sflag:$0x3], $0x80, $0x38;
	[tilespmem:$0x11A80] =	vst v63  }
0x240: {  	s0 =	sadd.s32 $0xC600, s26  }
0x241: {  	[hbm4b:s28+s5] =	stream.linear.scatter [tilespmem:s0], [sflag:$0x3], $0x80, $0x38;
	[tilespmem:$0x11A80] =	vst v63  }
0x242: {  	s30 =	sadd.s32 $0xC688, s26;
	s31 =	sadd.s32 $0x10, s28  }
0x243: {  	[hbm4b:s31+s5] =	stream.linear.scatter [tilespmem:s30], [sflag:$0x3], $0x80, $0x38;
	[tilespmem:$0x11A80] =	vst v63  }
0x244: {  	s2 =	sadd.s32 $0xC710, s26;
	s29 =	sadd.s32 $0x20, s28  }
0x245: {  	[hbm4b:s29+s5] =	stream.linear.scatter [tilespmem:s2], [sflag:$0x3], $0x80, $0x38;
	[tilespmem:$0x11A80] =	vst v63  }
0x246: {  	s30 =	sadd.s32 $0xC798, s26;
	s31 =	sadd.s32 $0x30, s28  }
0x247: {  	[hbm4b:s31+s5] =	stream.linear.scatter [tilespmem:s30], [sflag:$0x3], $0x80, $0x38;
	[tilespmem:$0x11A80] =	vst v63  }
0x248: {  	s25 =	sadd.s32 $0x1, s25;
	s2 =	sadd.s32 $0xC820, s26;
	s29 =	sadd.s32 $0x40, s28  }
0x249: {  	[hbm4b:s29+s5] =	stream.linear.scatter [tilespmem:s2], [sflag:$0x3], $0x80, $0x38;
	[tilespmem:$0x11A80] =	vst v63  }
0x24a: {  	p0 =	sne.s32 s25, $0x64;
	s30 =	sadd.s32 $0xC8A8, s26;
	s31 =	sadd.s32 $0x50, s28  }
0x24b: {  	[hbm4b:s31+s5] =	stream.linear.scatter [tilespmem:s30], [sflag:$0x3], $0x80, $0x38;
	[tilespmem:$0x11A80] =	vst v63  }
.Ltmp7:
0x24c: {  	_ = 	snop;
	(pc) =	sbr.rel @p0 .LBB2_2-.Ltmp7, $4  }
0x24d: {  	s2 =	sadd.s32 $0xC930, s26;
	s29 =	sadd.s32 $0x60, s28  }
0x24e: {  	[hbm4b:s29+s5] =	stream.linear.scatter [tilespmem:s2], [sflag:$0x3], $0x80, $0x38;
	[tilespmem:$0x11A80] =	vst v63  }
0x24f: {  	s30 =	sadd.s32 $0xC9B8, s26;
	s31 =	sadd.s32 $0x70, s28  }
0x250: {  	[hbm4b:s31+s5] =	stream.linear.scatter [tilespmem:s30], [sflag:$0x3], $0x80, $0x38;
	[tilespmem:$0x11A80] =	vst v63  }
0x251: {  	s24 =	sadd.s32 $0x1, s24  }
0x252: {  	_ =	swait.ge [sflag:s23], $0x2000;
	p0 =	sne.s32 s24, s10  }
.Ltmp8:
0x253: {  	[sflag:s23] =	ssyncset.done $0x0;
	(pc) =	sbr.rel @p0 .LBB2_1-.Ltmp8, $4  }
0x254: {  	[sflag:s23] =	ssyncadd.s32 $0xFFFFE000  }
0x255: {  	_ =	swait.ge [sflag:s21], $0x2000  }
0x256: {  	[sflag:s21] =	ssyncset.done $0x0  }
0x257: {  	[sflag:s21] =	ssyncadd.s32 $0xFFFFE000  }
0x258: {  	_ =	sfence.sel $0x180000  }
0x259: {  	[bflag:$0x0] =	sbarrier.arrive $0xFFFF  }
0x25a: {  	_ =	strace $0x90000047  }
0x25b: {  	s0 =	stileid.u32;
	[bflag:$0x2] =	sbarrier.arrive $0xFFFF  }
0x25c: {  	p0 =	sne.s32 s0, $0x0;
	s0 =	rddreg [dreg:$0x4]  }
0x25d: {  	s0 =	sadd.s32 @!p0 $0x100000, s0  }
0x25e: {  	[sflag:s0] =	ssyncadd.tile.s32 @!p0 $0x1;
	_ =	shalt  }
.Lfunc_end2:
_tile_overlayer_lowered:
.L_overlay_start_2:
0x25f: {  	(tag) =	ssettag $0x2  }
0x260: {  	s0 =	rddreg [dreg:$0x0];
	s2 =	stileid.u32  }
0x261: {  	s1 =	rddreg [dreg:$0x1];
	p0 =	sne.s32 s2, $0x0  }
0x262: {  	s3 =	rddreg [dreg:$0x2];
	[bflag:$0x3] =	sbarrier.arrive $0xFFFF;
	s2 =	simm.s32 @!p0 $0x1C04  }
0x263: {  	[timem:s3], [sflag:s2] =	dma.local @!p0 [hbm:s0], s1  }
0x264: {  	s0 =	simm.s32 @!p0 $0x4  }
0x265: {  	_ =	swait.ge @!p0 [sflag:s0], s1  }
0x266: {  	s1 =	ssub.s32 @!p0 $0x0, s1;
	[sflag:s0] =	ssyncset.done @!p0 $0x0  }
0x267: {  	[sflag:s0] =	ssyncadd.s32 @!p0 s1  }
0x268: {  	[bflag:$0x3] =	sbarrier.arrive $0xFFFF  }
0x269: {  	_ =	shalt  }

</sc_bundles>
